<compile_context>
chip_gen: v7x
topology: tpu7x:2x2x1
jax: 0.10.2.dev20260603
libtpu: 0.0.44.dev20260713+nightly
codegen_flags: <defaults>
</compile_context>

<pallas_src>
import functools

import jax
import jax.numpy as jnp
import numpy as np
from jax import lax
from jax.experimental import pallas as pl
from jax.experimental.pallas import tpu as pltpu
from jax.experimental.pallas import tpu_sc as plsc

_C, _H, _W = 3, 512, 512
_rng = np.random.RandomState(0)
_START_X = int(_rng.randint(0, _W + 1)) % _W
_START_Y = int(_rng.randint(0, _H + 1)) % _H
assert _START_X % 16 == 0

_NW = 32
_ROWS = _C * _H
_RPW = _ROWS // _NW
_LANES = 16
_VPR = _W // _LANES

_r = np.arange(_ROWS)
_SRC_ROWS = ((_r // _H) * _H + ((_r % _H) + _START_Y) % _H).astype(np.int32)

_mesh = plsc.VectorSubcoreMesh(core_axis_name="c", subcore_axis_name="s")


@functools.partial(
    pl.kernel,
    out_type=jax.ShapeDtypeStruct((_ROWS, _W), jnp.float32),
    mesh=_mesh,
    scratch_types=[
        pltpu.VMEM((_RPW,), jnp.int32),
        pltpu.VMEM((_RPW, _W), jnp.float32),
        pltpu.VMEM((_RPW, _W), jnp.int32),
        pltpu.VMEM((_RPW, _W), jnp.float32),
        pltpu.SemaphoreType.DMA,
        pltpu.SemaphoreType.DMA,
        pltpu.SemaphoreType.DMA,
    ],
)
def _copy_move_sc(noised_hbm, mask_hbm, idx_hbm, out_hbm,
                  idx_v, noise_v, mask_v, shift_v, sem_n, sem_m, sem_s):
    wid = lax.axis_index("s") * 2 + lax.axis_index("c")
    base = wid * _RPW
    pltpu.sync_copy(idx_hbm.at[pl.ds(base, _RPW)], idx_v)
    cp_n = pltpu.async_copy(noised_hbm.at[pl.ds(base, _RPW)], noise_v, sem_n)
    cp_m = pltpu.async_copy(mask_hbm.at[pl.ds(base, _RPW)], mask_v, sem_m)
    cp_s = pltpu.async_copy(noised_hbm.at[idx_v], shift_v, sem_s)
    cp_n.wait()
    cp_m.wait()
    cp_s.wait()

    def row(i, carry):
        for j in range(_VPR):
            off = (_LANES * j + _START_X) % _W
            m = mask_v[i, pl.ds(_LANES * j, _LANES)]
            s = shift_v[i, pl.ds(off, _LANES)]
            n = noise_v[i, pl.ds(_LANES * j, _LANES)]
            noise_v[i, pl.ds(_LANES * j, _LANES)] = jnp.where(m > 0, s, n)
        return carry

    lax.fori_loop(0, _RPW, row, 0)
    pltpu.sync_copy(noise_v, out_hbm.at[pl.ds(base, _RPW)])


def kernel(noised, mask):
    noised2 = noised.reshape(_ROWS, _W)
    mask2 = mask.reshape(_ROWS, _W)
    out2 = _copy_move_sc(noised2, mask2, jnp.asarray(_SRC_ROWS))
    return out2.reshape(_C, _H, _W)

# --- scband reference (transcript-rebuilt; emitter-appended) ---
"""Pipeline reference for scband-copy-move-35510789603408 (READ-ONLY COPY).

The authoritative reference and input builder live on the scoring server;
editing this copy changes nothing except your own understanding.
"""

import jax, jax.numpy as jnp
import numpy as np


def setup_inputs(seed: int = 0) -> dict:
    key = jax.random.key(seed)
    k1, k2 = jax.random.split(key)
    noised = jax.random.uniform(k1, (3, 512, 512), dtype=jnp.float32)
    mask = jax.random.randint(k2, (3, 512, 512), 0, 2, dtype=jnp.int32)
    return {"noised": noised, "mask": mask}


def reference(noised, mask):
    channels, height, width = noised.shape
    # 2x2 tiling of the image (identical to filling the four quadrants)
    tiled_image = jnp.tile(noised, (1, 2, 2))
    # Original module uses python random.randint(0, width) / (0, height) (inclusive).
    # Replicate deterministically with a fixed-seed RNG so the reference is reproducible.
    rng = np.random.RandomState(0)
    start_x = int(rng.randint(0, width + 1))
    start_y = int(rng.randint(0, height + 1))
    extracted_image = jax.lax.dynamic_slice(
        tiled_image, (0, start_y, start_x), (channels, height, width)
    )
    # tampered[mask > 0] = extracted[mask > 0]  -> elementwise masked overwrite
    tampered_image = jnp.where(mask > 0, extracted_image, noised)
    return tampered_image

if __name__ == "__main__":
    import jax
    _d = setup_inputs()
    print(jax.jit(kernel)(*tuple(_d.values())))

</pallas_src>

<mosaic_0001>
#map = affine_map<(d0, d1) -> (0, 0)>
#map1 = affine_map<(d0, d1) -> (0)>
module attributes {stable_mosaic.version = 14 : i64} {
  func.func @_copy_move_sc(%arg0: i32, %arg1: i32, %arg2: memref<1536x512xf32, #tpu.memory_space<hbm>>, %arg3: memref<1536x512xi32, #tpu.memory_space<hbm>>, %arg4: memref<1536xi32, #tpu.memory_space<hbm>>, %arg5: memref<1536x512xf32, #tpu.memory_space<hbm>>, %arg6: memref<48xi32, #tpu.memory_space<vmem>>, %arg7: memref<48x512xf32, #tpu.memory_space<vmem>>, %arg8: memref<48x512xi32, #tpu.memory_space<vmem>>, %arg9: memref<48x512xf32, #tpu.memory_space<vmem>>, %arg10: memref<!tpu.dma_semaphore, #tpu.memory_space<semaphore_mem>>, %arg11: memref<!tpu.dma_semaphore, #tpu.memory_space<semaphore_mem>>, %arg12: memref<!tpu.dma_semaphore, #tpu.memory_space<semaphore_mem>>) attributes {dimension_semantics = [#tpu.dimension_semantics<core_parallel>, #tpu.dimension_semantics<subcore_parallel>], iteration_bounds = array<i64: 2, 16>, scalar_prefetch = 0 : i64, scratch_operands = 7 : i64, tpu.core_type = #tpu.core_type<sc_vector_subcore>, window_params = [{transform_indices = #map}, {transform_indices = #map}, {transform_indices = #map1}, {transform_indices = #map}]} {
    %mul3A = arith.constant 2 : i32
    %mul3A_0 = arith.muli %arg1, %mul3A : i32
    %add3A = arith.addi %mul3A_0, %arg0 : i32
    %mul3A_1 = arith.constant 48 : i32
    %mul3A_2 = arith.muli %add3A, %mul3A_1 : i32
    "tpu.region"() ({
      %run_scoped3A = tpu.sem_alloc : memref<!tpu.dma_semaphore, #tpu.memory_space<semaphore_mem>>
      %dma_start3A_28 = tpu.memref_slice %arg4[%mul3A_2] : memref<1536xi32, #tpu.memory_space<hbm>> -> memref<48xi32, #tpu.memory_space<hbm>>
      %dma_start3A_29 = tpu.memref_slice %arg4[%mul3A_2] : memref<1536xi32, #tpu.memory_space<hbm>> -> memref<48xi32, #tpu.memory_space<hbm>>
      tpu.enqueue_dma source(%dma_start3A_29 : memref<48xi32, #tpu.memory_space<hbm>>) target(%arg6 : memref<48xi32, #tpu.memory_space<vmem>>) target_semaphore(%run_scoped3A : memref<!tpu.dma_semaphore, #tpu.memory_space<semaphore_mem>>)
      %dma_wait3A_30 = tpu.memref_slice %arg4[%mul3A_2] : memref<1536xi32, #tpu.memory_space<hbm>> -> memref<48xi32, #tpu.memory_space<hbm>>
      %dma_wait3A_31 = tpu.memref_slice %arg4[%mul3A_2] : memref<1536xi32, #tpu.memory_space<hbm>> -> memref<48xi32, #tpu.memory_space<hbm>>
      tpu.wait_dma2 semaphore(%run_scoped3A : memref<!tpu.dma_semaphore, #tpu.memory_space<semaphore_mem>>) src(%dma_wait3A_31 : memref<48xi32, #tpu.memory_space<hbm>>) dst(%arg6 : memref<48xi32, #tpu.memory_space<vmem>>)
      tpu.yield
    }) : () -> ()
    %dma_start3A = arith.constant 0 : i32
    %dma_start3A_3 = tpu.memref_slice %arg2[%mul3A_2, %dma_start3A] : memref<1536x512xf32, #tpu.memory_space<hbm>> -> memref<48x512xf32, #tpu.memory_space<hbm>>
    %dma_start3A_4 = arith.constant 0 : i32
    %dma_start3A_5 = tpu.memref_slice %arg2[%mul3A_2, %dma_start3A_4] : memref<1536x512xf32, #tpu.memory_space<hbm>> -> memref<48x512xf32, #tpu.memory_space<hbm>>
    tpu.enqueue_dma source(%dma_start3A_5 : memref<48x512xf32, #tpu.memory_space<hbm>>) target(%arg7 : memref<48x512xf32, #tpu.memory_space<vmem>>) target_semaphore(%arg10 : memref<!tpu.dma_semaphore, #tpu.memory_space<semaphore_mem>>)
    %dma_start3A_6 = arith.constant 0 : i32
    %dma_start3A_7 = tpu.memref_slice %arg3[%mul3A_2, %dma_start3A_6] : memref<1536x512xi32, #tpu.memory_space<hbm>> -> memref<48x512xi32, #tpu.memory_space<hbm>>
    %dma_start3A_8 = arith.constant 0 : i32
    %dma_start3A_9 = tpu.memref_slice %arg3[%mul3A_2, %dma_start3A_8] : memref<1536x512xi32, #tpu.memory_space<hbm>> -> memref<48x512xi32, #tpu.memory_space<hbm>>
    tpu.enqueue_dma source(%dma_start3A_9 : memref<48x512xi32, #tpu.memory_space<hbm>>) target(%arg8 : memref<48x512xi32, #tpu.memory_space<vmem>>) target_semaphore(%arg11 : memref<!tpu.dma_semaphore, #tpu.memory_space<semaphore_mem>>)
    %dma_start3A_10 = arith.constant 0 : i32
    %dma_start3A_11 = arith.constant 0 : i32
    %dma_start3A_12 = tpu.memref_slice %arg2[%dma_start3A_10, %dma_start3A_11] : memref<1536x512xf32, #tpu.memory_space<hbm>> -> memref<1536x512xf32, #tpu.memory_space<hbm>>
    tpu.enqueue_indirect_dma source(%dma_start3A_12 : memref<1536x512xf32, #tpu.memory_space<hbm>>) target(%arg9 : memref<48x512xf32, #tpu.memory_space<vmem>>) offsets(%arg6 : memref<48xi32, #tpu.memory_space<vmem>>) semaphore(%arg12 : memref<!tpu.dma_semaphore, #tpu.memory_space<semaphore_mem>>)
    %dma_wait3A = arith.constant 0 : i32
    %dma_wait3A_13 = tpu.memref_slice %arg2[%mul3A_2, %dma_wait3A] : memref<1536x512xf32, #tpu.memory_space<hbm>> -> memref<48x512xf32, #tpu.memory_space<hbm>>
    %dma_wait3A_14 = arith.constant 0 : i32
    %dma_wait3A_15 = tpu.memref_slice %arg2[%mul3A_2, %dma_wait3A_14] : memref<1536x512xf32, #tpu.memory_space<hbm>> -> memref<48x512xf32, #tpu.memory_space<hbm>>
    tpu.wait_dma2 semaphore(%arg10 : memref<!tpu.dma_semaphore, #tpu.memory_space<semaphore_mem>>) src(%dma_wait3A_15 : memref<48x512xf32, #tpu.memory_space<hbm>>) dst(%arg7 : memref<48x512xf32, #tpu.memory_space<vmem>>)
    %dma_wait3A_16 = arith.constant 0 : i32
    %dma_wait3A_17 = tpu.memref_slice %arg3[%mul3A_2, %dma_wait3A_16] : memref<1536x512xi32, #tpu.memory_space<hbm>> -> memref<48x512xi32, #tpu.memory_space<hbm>>
    %dma_wait3A_18 = arith.constant 0 : i32
    %dma_wait3A_19 = tpu.memref_slice %arg3[%mul3A_2, %dma_wait3A_18] : memref<1536x512xi32, #tpu.memory_space<hbm>> -> memref<48x512xi32, #tpu.memory_space<hbm>>
    tpu.wait_dma2 semaphore(%arg11 : memref<!tpu.dma_semaphore, #tpu.memory_space<semaphore_mem>>) src(%dma_wait3A_19 : memref<48x512xi32, #tpu.memory_space<hbm>>) dst(%arg8 : memref<48x512xi32, #tpu.memory_space<vmem>>)
    %dma_wait3A_20 = arith.constant 0 : i32
    %dma_wait3A_21 = arith.constant 0 : i32
    %dma_wait3A_22 = tpu.memref_slice %arg2[%dma_wait3A_20, %dma_wait3A_21] : memref<1536x512xf32, #tpu.memory_space<hbm>> -> memref<1536x512xf32, #tpu.memory_space<hbm>>
    tpu.wait_indirect_dma semaphore(%arg12 : memref<!tpu.dma_semaphore, #tpu.memory_space<semaphore_mem>>) src(%dma_wait3A_22 : memref<1536x512xf32, #tpu.memory_space<hbm>>) dst(%arg9 : memref<48x512xf32, #tpu.memory_space<vmem>>)
    %scan3A = arith.constant 0 : i32
    %scan3A_23 = arith.constant 0 : i32
    %scan3A_24 = arith.constant 48 : i32
    %scan3A_25 = arith.addi %scan3A_23, %scan3A_24 : i32
    %scan3A_26 = arith.constant 1 : i32
    scf.for %scan3A_28 = %scan3A_23 to %scan3A_25 step %scan3A_26  : i32 {
      %get3A = arith.index_cast %scan3A_28 : i32 to index
      %get3A_29 = arith.constant 0 : index
      %get3A_30 = tpu.vector_load %arg8[%get3A, %get3A_29] {strides = array<i32>} : memref<48x512xi32, #tpu.memory_space<vmem>>, vector<1x16xi32>,
      %get3A_31 = vector.shape_cast %get3A_30 : vector<1x16xi32> to vector<16xi32>
      %get3A_32 = arith.index_cast %scan3A_28 : i32 to index
      %get3A_33 = arith.constant 192 : index
      %get3A_34 = tpu.vector_load %arg9[%get3A_32, %get3A_33] {strides = array<i32>} : memref<48x512xf32, #tpu.memory_space<vmem>>, vector<1x16xf32>,
      %get3A_35 = vector.shape_cast %get3A_34 : vector<1x16xf32> to vector<16xf32>
      %get3A_36 = arith.index_cast %scan3A_28 : i32 to index
      %get3A_37 = arith.constant 0 : index
      %get3A_38 = tpu.vector_load %arg7[%get3A_36, %get3A_37] {strides = array<i32>} : memref<48x512xf32, #tpu.memory_space<vmem>>, vector<1x16xf32>,
      %get3A_39 = vector.shape_cast %get3A_38 : vector<1x16xf32> to vector<16xf32>
      %gt3A = arith.constant 0 : i32
      %gt3A_40 = vector.broadcast %gt3A : i32 to vector<16xi32>
      %gt3A_41 = arith.cmpi sgt, %get3A_31, %gt3A_40 : vector<16xi32>
      %select_n3A = arith.select %gt3A_41, %get3A_35, %get3A_39 : vector<16xi1>, vector<16xf32>
      %swap3A = arith.index_cast %scan3A_28 : i32 to index
      %swap3A_42 = arith.constant 0 : index
      %swap3A_43 = tpu.vector_load %arg7[%swap3A, %swap3A_42] {strides = array<i32>} : memref<48x512xf32, #tpu.memory_space<vmem>>, vector<1x16xf32>,
      %swap3A_44 = vector.shape_cast %swap3A_43 : vector<1x16xf32> to vector<16xf32>
      %swap3A_45 = vector.shape_cast %select_n3A : vector<16xf32> to vector<1x16xf32>
      tpu.vector_store %arg7[%swap3A, %swap3A_42], %swap3A_45 {strides = array<i32>} : memref<48x512xf32, #tpu.memory_space<vmem>>, vector<1x16xf32>,
      %get3A_46 = arith.index_cast %scan3A_28 : i32 to index
      %get3A_47 = arith.constant 16 : index
      %get3A_48 = tpu.vector_load %arg8[%get3A_46, %get3A_47] {strides = array<i32>} : memref<48x512xi32, #tpu.memory_space<vmem>>, vector<1x16xi32>,
      %get3A_49 = vector.shape_cast %get3A_48 : vector<1x16xi32> to vector<16xi32>
      %get3A_50 = arith.index_cast %scan3A_28 : i32 to index
      %get3A_51 = arith.constant 208 : index
      %get3A_52 = tpu.vector_load %arg9[%get3A_50, %get3A_51] {strides = array<i32>} : memref<48x512xf32, #tpu.memory_space<vmem>>, vector<1x16xf32>,
      %get3A_53 = vector.shape_cast %get3A_52 : vector<1x16xf32> to vector<16xf32>
      %get3A_54 = arith.index_cast %scan3A_28 : i32 to index
      %get3A_55 = arith.constant 16 : index
      %get3A_56 = tpu.vector_load %arg7[%get3A_54, %get3A_55] {strides = array<i32>} : memref<48x512xf32, #tpu.memory_space<vmem>>, vector<1x16xf32>,
      %get3A_57 = vector.shape_cast %get3A_56 : vector<1x16xf32> to vector<16xf32>
      %gt3A_58 = arith.constant 0 : i32
      %gt3A_59 = vector.broadcast %gt3A_58 : i32 to vector<16xi32>
      %gt3A_60 = arith.cmpi sgt, %get3A_49, %gt3A_59 : vector<16xi32>
      %select_n3A_61 = arith.select %gt3A_60, %get3A_53, %get3A_57 : vector<16xi1>, vector<16xf32>
      %swap3A_62 = arith.index_cast %scan3A_28 : i32 to index
      %swap3A_63 = arith.constant 16 : index
      %swap3A_64 = tpu.vector_load %arg7[%swap3A_62, %swap3A_63] {strides = array<i32>} : memref<48x512xf32, #tpu.memory_space<vmem>>, vector<1x16xf32>,
      %swap3A_65 = vector.shape_cast %swap3A_64 : vector<1x16xf32> to vector<16xf32>
      %swap3A_66 = vector.shape_cast %select_n3A_61 : vector<16xf32> to vector<1x16xf32>
      tpu.vector_store %arg7[%swap3A_62, %swap3A_63], %swap3A_66 {strides = array<i32>} : memref<48x512xf32, #tpu.memory_space<vmem>>, vector<1x16xf32>,
      %get3A_67 = arith.index_cast %scan3A_28 : i32 to index
      %get3A_68 = arith.constant 32 : index
      %get3A_69 = tpu.vector_load %arg8[%get3A_67, %get3A_68] {strides = array<i32>} : memref<48x512xi32, #tpu.memory_space<vmem>>, vector<1x16xi32>,
      %get3A_70 = vector.shape_cast %get3A_69 : vector<1x16xi32> to vector<16xi32>
      %get3A_71 = arith.index_cast %scan3A_28 : i32 to index
      %get3A_72 = arith.constant 224 : index
      %get3A_73 = tpu.vector_load %arg9[%get3A_71, %get3A_72] {strides = array<i32>} : memref<48x512xf32, #tpu.memory_space<vmem>>, vector<1x16xf32>,
      %get3A_74 = vector.shape_cast %get3A_73 : vector<1x16xf32> to vector<16xf32>
      %get3A_75 = arith.index_cast %scan3A_28 : i32 to index
      %get3A_76 = arith.constant 32 : index
      %get3A_77 = tpu.vector_load %arg7[%get3A_75, %get3A_76] {strides = array<i32>} : memref<48x512xf32, #tpu.memory_space<vmem>>, vector<1x16xf32>,
      %get3A_78 = vector.shape_cast %get3A_77 : vector<1x16xf32> to vector<16xf32>
      %gt3A_79 = arith.constant 0 : i32
      %gt3A_80 = vector.broadcast %gt3A_79 : i32 to vector<16xi32>
      %gt3A_81 = arith.cmpi sgt, %get3A_70, %gt3A_80 : vector<16xi32>
      %select_n3A_82 = arith.select %gt3A_81, %get3A_74, %get3A_78 : vector<16xi1>, vector<16xf32>
      %swap3A_83 = arith.index_cast %scan3A_28 : i32 to index
      %swap3A_84 = arith.constant 32 : index
      %swap3A_85 = tpu.vector_load %arg7[%swap3A_83, %swap3A_84] {strides = array<i32>} : memref<48x512xf32, #tpu.memory_space<vmem>>, vector<1x16xf32>,
      %swap3A_86 = vector.shape_cast %swap3A_85 : vector<1x16xf32> to vector<16xf32>
      %swap3A_87 = vector.shape_cast %select_n3A_82 : vector<16xf32> to vector<1x16xf32>
      tpu.vector_store %arg7[%swap3A_83, %swap3A_84], %swap3A_87 {strides = array<i32>} : memref<48x512xf32, #tpu.memory_space<vmem>>, vector<1x16xf32>,
      %get3A_88 = arith.index_cast %scan3A_28 : i32 to index
      %get3A_89 = arith.constant 48 : index
      %get3A_90 = tpu.vector_load %arg8[%get3A_88, %get3A_89] {strides = array<i32>} : memref<48x512xi32, #tpu.memory_space<vmem>>, vector<1x16xi32>,
      %get3A_91 = vector.shape_cast %get3A_90 : vector<1x16xi32> to vector<16xi32>
      %get3A_92 = arith.index_cast %scan3A_28 : i32 to index
      %get3A_93 = arith.constant 240 : index
      %get3A_94 = tpu.vector_load %arg9[%get3A_92, %get3A_93] {strides = array<i32>} : memref<48x512xf32, #tpu.memory_space<vmem>>, vector<1x16xf32>,
      %get3A_95 = vector.shape_cast %get3A_94 : vector<1x16xf32> to vector<16xf32>
      %get3A_96 = arith.index_cast %scan3A_28 : i32 to index
      %get3A_97 = arith.constant 48 : index
      %get3A_98 = tpu.vector_load %arg7[%get3A_96, %get3A_97] {strides = array<i32>} : memref<48x512xf32, #tpu.memory_space<vmem>>, vector<1x16xf32>,
      %get3A_99 = vector.shape_cast %get3A_98 : vector<1x16xf32> to vector<16xf32>
      %gt3A_100 = arith.constant 0 : i32
      %gt3A_101 = vector.broadcast %gt3A_100 : i32 to vector<16xi32>
      %gt3A_102 = arith.cmpi sgt, %get3A_91, %gt3A_101 : vector<16xi32>
      %select_n3A_103 = arith.select %gt3A_102, %get3A_95, %get3A_99 : vector<16xi1>, vector<16xf32>
      %swap3A_104 = arith.index_cast %scan3A_28 : i32 to index
      %swap3A_105 = arith.constant 48 : index
      %swap3A_106 = tpu.vector_load %arg7[%swap3A_104, %swap3A_105] {strides = array<i32>} : memref<48x512xf32, #tpu.memory_space<vmem>>, vector<1x16xf32>,
      %swap3A_107 = vector.shape_cast %swap3A_106 : vector<1x16xf32> to vector<16xf32>
      %swap3A_108 = vector.shape_cast %select_n3A_103 : vector<16xf32> to vector<1x16xf32>
      tpu.vector_store %arg7[%swap3A_104, %swap3A_105], %swap3A_108 {strides = array<i32>} : memref<48x512xf32, #tpu.memory_space<vmem>>, vector<1x16xf32>,
      %get3A_109 = arith.index_cast %scan3A_28 : i32 to index
      %get3A_110 = arith.constant 64 : index
      %get3A_111 = tpu.vector_load %arg8[%get3A_109, %get3A_110] {strides = array<i32>} : memref<48x512xi32, #tpu.memory_space<vmem>>, vector<1x16xi32>,
      %get3A_112 = vector.shape_cast %get3A_111 : vector<1x16xi32> to vector<16xi32>
      %get3A_113 = arith.index_cast %scan3A_28 : i32 to index
      %get3A_114 = arith.constant 256 : index
      %get3A_115 = tpu.vector_load %arg9[%get3A_113, %get3A_114] {strides = array<i32>} : memref<48x512xf32, #tpu.memory_space<vmem>>, vector<1x16xf32>,
      %get3A_116 = vector.shape_cast %get3A_115 : vector<1x16xf32> to vector<16xf32>
      %get3A_117 = arith.index_cast %scan3A_28 : i32 to index
      %get3A_118 = arith.constant 64 : index
      %get3A_119 = tpu.vector_load %arg7[%get3A_117, %get3A_118] {strides = array<i32>} : memref<48x512xf32, #tpu.memory_space<vmem>>, vector<1x16xf32>,
      %get3A_120 = vector.shape_cast %get3A_119 : vector<1x16xf32> to vector<16xf32>
      %gt3A_121 = arith.constant 0 : i32
      %gt3A_122 = vector.broadcast %gt3A_121 : i32 to vector<16xi32>
      %gt3A_123 = arith.cmpi sgt, %get3A_112, %gt3A_122 : vector<16xi32>
      %select_n3A_124 = arith.select %gt3A_123, %get3A_116, %get3A_120 : vector<16xi1>, vector<16xf32>
      %swap3A_125 = arith.index_cast %scan3A_28 : i32 to index
      %swap3A_126 = arith.constant 64 : index
      %swap3A_127 = tpu.vector_load %arg7[%swap3A_125, %swap3A_126] {strides = array<i32>} : memref<48x512xf32, #tpu.memory_space<vmem>>, vector<1x16xf32>,
      %swap3A_128 = vector.shape_cast %swap3A_127 : vector<1x16xf32> to vector<16xf32>
      %swap3A_129 = vector.shape_cast %select_n3A_124 : vector<16xf32> to vector<1x16xf32>
      tpu.vector_store %arg7[%swap3A_125, %swap3A_126], %swap3A_129 {strides = array<i32>} : memref<48x512xf32, #tpu.memory_space<vmem>>, vector<1x16xf32>,
      %get3A_130 = arith.index_cast %scan3A_28 : i32 to index
      %get3A_131 = arith.constant 80 : index
      %get3A_132 = tpu.vector_load %arg8[%get3A_130, %get3A_131] {strides = array<i32>} : memref<48x512xi32, #tpu.memory_space<vmem>>, vector<1x16xi32>,
      %get3A_133 = vector.shape_cast %get3A_132 : vector<1x16xi32> to vector<16xi32>
      %get3A_134 = arith.index_cast %scan3A_28 : i32 to index
      %get3A_135 = arith.constant 272 : index
      %get3A_136 = tpu.vector_load %arg9[%get3A_134, %get3A_135] {strides = array<i32>} : memref<48x512xf32, #tpu.memory_space<vmem>>, vector<1x16xf32>,
      %get3A_137 = vector.shape_cast %get3A_136 : vector<1x16xf32> to vector<16xf32>
      %get3A_138 = arith.index_cast %scan3A_28 : i32 to index
      %get3A_139 = arith.constant 80 : index
      %get3A_140 = tpu.vector_load %arg7[%get3A_138, %get3A_139] {strides = array<i32>} : memref<48x512xf32, #tpu.memory_space<vmem>>, vector<1x16xf32>,
      %get3A_141 = vector.shape_cast %get3A_140 : vector<1x16xf32> to vector<16xf32>
      %gt3A_142 = arith.constant 0 : i32
      %gt3A_143 = vector.broadcast %gt3A_142 : i32 to vector<16xi32>
      %gt3A_144 = arith.cmpi sgt, %get3A_133, %gt3A_143 : vector<16xi32>
      %select_n3A_145 = arith.select %gt3A_144, %get3A_137, %get3A_141 : vector<16xi1>, vector<16xf32>
      %swap3A_146 = arith.index_cast %scan3A_28 : i32 to index
      %swap3A_147 = arith.constant 80 : index
      %swap3A_148 = tpu.vector_load %arg7[%swap3A_146, %swap3A_147] {strides = array<i32>} : memref<48x512xf32, #tpu.memory_space<vmem>>, vector<1x16xf32>,
      %swap3A_149 = vector.shape_cast %swap3A_148 : vector<1x16xf32> to vector<16xf32>
      %swap3A_150 = vector.shape_cast %select_n3A_145 : vector<16xf32> to vector<1x16xf32>
      tpu.vector_store %arg7[%swap3A_146, %swap3A_147], %swap3A_150 {strides = array<i32>} : memref<48x512xf32, #tpu.memory_space<vmem>>, vector<1x16xf32>,
      %get3A_151 = arith.index_cast %scan3A_28 : i32 to index
      %get3A_152 = arith.constant 96 : index
      %get3A_153 = tpu.vector_load %arg8[%get3A_151, %get3A_152] {strides = array<i32>} : memref<48x512xi32, #tpu.memory_space<vmem>>, vector<1x16xi32>,
      %get3A_154 = vector.shape_cast %get3A_153 : vector<1x16xi32> to vector<16xi32>
      %get3A_155 = arith.index_cast %scan3A_28 : i32 to index
      %get3A_156 = arith.constant 288 : index
      %get3A_157 = tpu.vector_load %arg9[%get3A_155, %get3A_156] {strides = array<i32>} : memref<48x512xf32, #tpu.memory_space<vmem>>, vector<1x16xf32>,
      %get3A_158 = vector.shape_cast %get3A_157 : vector<1x16xf32> to vector<16xf32>
      %get3A_159 = arith.index_cast %scan3A_28 : i32 to index
      %get3A_160 = arith.constant 96 : index
      %get3A_161 = tpu.vector_load %arg7[%get3A_159, %get3A_160] {strides = array<i32>} : memref<48x512xf32, #tpu.memory_space<vmem>>, vector<1x16xf32>,
      %get3A_162 = vector.shape_cast %get3A_161 : vector<1x16xf32> to vector<16xf32>
      %gt3A_163 = arith.constant 0 : i32
      %gt3A_164 = vector.broadcast %gt3A_163 : i32 to vector<16xi32>
      %gt3A_165 = arith.cmpi sgt, %get3A_154, %gt3A_164 : vector<16xi32>
      %select_n3A_166 = arith.select %gt3A_165, %get3A_158, %get3A_162 : vector<16xi1>, vector<16xf32>
      %swap3A_167 = arith.index_cast %scan3A_28 : i32 to index
      %swap3A_168 = arith.constant 96 : index
      %swap3A_169 = tpu.vector_load %arg7[%swap3A_167, %swap3A_168] {strides = array<i32>} : memref<48x512xf32, #tpu.memory_space<vmem>>, vector<1x16xf32>,
      %swap3A_170 = vector.shape_cast %swap3A_169 : vector<1x16xf32> to vector<16xf32>
      %swap3A_171 = vector.shape_cast %select_n3A_166 : vector<16xf32> to vector<1x16xf32>
      tpu.vector_store %arg7[%swap3A_167, %swap3A_168], %swap3A_171 {strides = array<i32>} : memref<48x512xf32, #tpu.memory_space<vmem>>, vector<1x16xf32>,
      %get3A_172 = arith.index_cast %scan3A_28 : i32 to index
      %get3A_173 = arith.constant 112 : index
      %get3A_174 = tpu.vector_load %arg8[%get3A_172, %get3A_173] {strides = array<i32>} : memref<48x512xi32, #tpu.memory_space<vmem>>, vector<1x16xi32>,
      %get3A_175 = vector.shape_cast %get3A_174 : vector<1x16xi32> to vector<16xi32>
      %get3A_176 = arith.index_cast %scan3A_28 : i32 to index
      %get3A_177 = arith.constant 304 : index
      %get3A_178 = tpu.vector_load %arg9[%get3A_176, %get3A_177] {strides = array<i32>} : memref<48x512xf32, #tpu.memory_space<vmem>>, vector<1x16xf32>,
      %get3A_179 = vector.shape_cast %get3A_178 : vector<1x16xf32> to vector<16xf32>
      %get3A_180 = arith.index_cast %scan3A_28 : i32 to index
      %get3A_181 = arith.constant 112 : index
      %get3A_182 = tpu.vector_load %arg7[%get3A_180, %get3A_181] {strides = array<i32>} : memref<48x512xf32, #tpu.memory_space<vmem>>, vector<1x16xf32>,
      %get3A_183 = vector.shape_cast %get3A_182 : vector<1x16xf32> to vector<16xf32>
      %gt3A_184 = arith.constant 0 : i32
      %gt3A_185 = vector.broadcast %gt3A_184 : i32 to vector<16xi32>
      %gt3A_186 = arith.cmpi sgt, %get3A_175, %gt3A_185 : vector<16xi32>
      %select_n3A_187 = arith.select %gt3A_186, %get3A_179, %get3A_183 : vector<16xi1>, vector<16xf32>
      %swap3A_188 = arith.index_cast %scan3A_28 : i32 to index
      %swap3A_189 = arith.constant 112 : index
      %swap3A_190 = tpu.vector_load %arg7[%swap3A_188, %swap3A_189] {strides = array<i32>} : memref<48x512xf32, #tpu.memory_space<vmem>>, vector<1x16xf32>,
      %swap3A_191 = vector.shape_cast %swap3A_190 : vector<1x16xf32> to vector<16xf32>
      %swap3A_192 = vector.shape_cast %select_n3A_187 : vector<16xf32> to vector<1x16xf32>
      tpu.vector_store %arg7[%swap3A_188, %swap3A_189], %swap3A_192 {strides = array<i32>} : memref<48x512xf32, #tpu.memory_space<vmem>>, vector<1x16xf32>,
      %get3A_193 = arith.index_cast %scan3A_28 : i32 to index
      %get3A_194 = arith.constant 128 : index
      %get3A_195 = tpu.vector_load %arg8[%get3A_193, %get3A_194] {strides = array<i32>} : memref<48x512xi32, #tpu.memory_space<vmem>>, vector<1x16xi32>,
      %get3A_196 = vector.shape_cast %get3A_195 : vector<1x16xi32> to vector<16xi32>
      %get3A_197 = arith.index_cast %scan3A_28 : i32 to index
      %get3A_198 = arith.constant 320 : index
      %get3A_199 = tpu.vector_load %arg9[%get3A_197, %get3A_198] {strides = array<i32>} : memref<48x512xf32, #tpu.memory_space<vmem>>, vector<1x16xf32>,
      %get3A_200 = vector.shape_cast %get3A_199 : vector<1x16xf32> to vector<16xf32>
      %get3A_201 = arith.index_cast %scan3A_28 : i32 to index
      %get3A_202 = arith.constant 128 : index
      %get3A_203 = tpu.vector_load %arg7[%get3A_201, %get3A_202] {strides = array<i32>} : memref<48x512xf32, #tpu.memory_space<vmem>>, vector<1x16xf32>,
      %get3A_204 = vector.shape_cast %get3A_203 : vector<1x16xf32> to vector<16xf32>
      %gt3A_205 = arith.constant 0 : i32
      %gt3A_206 = vector.broadcast %gt3A_205 : i32 to vector<16xi32>
      %gt3A_207 = arith.cmpi sgt, %get3A_196, %gt3A_206 : vector<16xi32>
      %select_n3A_208 = arith.select %gt3A_207, %get3A_200, %get3A_204 : vector<16xi1>, vector<16xf32>
      %swap3A_209 = arith.index_cast %scan3A_28 : i32 to index
      %swap3A_210 = arith.constant 128 : index
      %swap3A_211 = tpu.vector_load %arg7[%swap3A_209, %swap3A_210] {strides = array<i32>} : memref<48x512xf32, #tpu.memory_space<vmem>>, vector<1x16xf32>,
      %swap3A_212 = vector.shape_cast %swap3A_211 : vector<1x16xf32> to vector<16xf32>
      %swap3A_213 = vector.shape_cast %select_n3A_208 : vector<16xf32> to vector<1x16xf32>
      tpu.vector_store %arg7[%swap3A_209, %swap3A_210], %swap3A_213 {strides = array<i32>} : memref<48x512xf32, #tpu.memory_space<vmem>>, vector<1x16xf32>,
      %get3A_214 = arith.index_cast %scan3A_28 : i32 to index
      %get3A_215 = arith.constant 144 : index
      %get3A_216 = tpu.vector_load %arg8[%get3A_214, %get3A_215] {strides = array<i32>} : memref<48x512xi32, #tpu.memory_space<vmem>>, vector<1x16xi32>,
      %get3A_217 = vector.shape_cast %get3A_216 : vector<1x16xi32> to vector<16xi32>
      %get3A_218 = arith.index_cast %scan3A_28 : i32 to index
      %get3A_219 = arith.constant 336 : index
      %get3A_220 = tpu.vector_load %arg9[%get3A_218, %get3A_219] {strides = array<i32>} : memref<48x512xf32, #tpu.memory_space<vmem>>, vector<1x16xf32>,
      %get3A_221 = vector.shape_cast %get3A_220 : vector<1x16xf32> to vector<16xf32>
      %get3A_222 = arith.index_cast %scan3A_28 : i32 to index
      %get3A_223 = arith.constant 144 : index
      %get3A_224 = tpu.vector_load %arg7[%get3A_222, %get3A_223] {strides = array<i32>} : memref<48x512xf32, #tpu.memory_space<vmem>>, vector<1x16xf32>,
      %get3A_225 = vector.shape_cast %get3A_224 : vector<1x16xf32> to vector<16xf32>
      %gt3A_226 = arith.constant 0 : i32
      %gt3A_227 = vector.broadcast %gt3A_226 : i32 to vector<16xi32>
      %gt3A_228 = arith.cmpi sgt, %get3A_217, %gt3A_227 : vector<16xi32>
      %select_n3A_229 = arith.select %gt3A_228, %get3A_221, %get3A_225 : vector<16xi1>, vector<16xf32>
      %swap3A_230 = arith.index_cast %scan3A_28 : i32 to index
      %swap3A_231 = arith.constant 144 : index
      %swap3A_232 = tpu.vector_load %arg7[%swap3A_230, %swap3A_231] {strides = array<i32>} : memref<48x512xf32, #tpu.memory_space<vmem>>, vector<1x16xf32>,
      %swap3A_233 = vector.shape_cast %swap3A_232 : vector<1x16xf32> to vector<16xf32>
      %swap3A_234 = vector.shape_cast %select_n3A_229 : vector<16xf32> to vector<1x16xf32>
      tpu.vector_store %arg7[%swap3A_230, %swap3A_231], %swap3A_234 {strides = array<i32>} : memref<48x512xf32, #tpu.memory_space<vmem>>, vector<1x16xf32>,
      %get3A_235 = arith.index_cast %scan3A_28 : i32 to index
      %get3A_236 = arith.constant 160 : index
      %get3A_237 = tpu.vector_load %arg8[%get3A_235, %get3A_236] {strides = array<i32>} : memref<48x512xi32, #tpu.memory_space<vmem>>, vector<1x16xi32>,
      %get3A_238 = vector.shape_cast %get3A_237 : vector<1x16xi32> to vector<16xi32>
      %get3A_239 = arith.index_cast %scan3A_28 : i32 to index
      %get3A_240 = arith.constant 352 : index
      %get3A_241 = tpu.vector_load %arg9[%get3A_239, %get3A_240] {strides = array<i32>} : memref<48x512xf32, #tpu.memory_space<vmem>>, vector<1x16xf32>,
      %get3A_242 = vector.shape_cast %get3A_241 : vector<1x16xf32> to vector<16xf32>
      %get3A_243 = arith.index_cast %scan3A_28 : i32 to index
      %get3A_244 = arith.constant 160 : index
      %get3A_245 = tpu.vector_load %arg7[%get3A_243, %get3A_244] {strides = array<i32>} : memref<48x512xf32, #tpu.memory_space<vmem>>, vector<1x16xf32>,
      %get3A_246 = vector.shape_cast %get3A_245 : vector<1x16xf32> to vector<16xf32>
      %gt3A_247 = arith.constant 0 : i32
      %gt3A_248 = vector.broadcast %gt3A_247 : i32 to vector<16xi32>
      %gt3A_249 = arith.cmpi sgt, %get3A_238, %gt3A_248 : vector<16xi32>
      %select_n3A_250 = arith.select %gt3A_249, %get3A_242, %get3A_246 : vector<16xi1>, vector<16xf32>
      %swap3A_251 = arith.index_cast %scan3A_28 : i32 to index
      %swap3A_252 = arith.constant 160 : index
      %swap3A_253 = tpu.vector_load %arg7[%swap3A_251, %swap3A_252] {strides = array<i32>} : memref<48x512xf32, #tpu.memory_space<vmem>>, vector<1x16xf32>,
      %swap3A_254 = vector.shape_cast %swap3A_253 : vector<1x16xf32> to vector<16xf32>
      %swap3A_255 = vector.shape_cast %select_n3A_250 : vector<16xf32> to vector<1x16xf32>
      tpu.vector_store %arg7[%swap3A_251, %swap3A_252], %swap3A_255 {strides = array<i32>} : memref<48x512xf32, #tpu.memory_space<vmem>>, vector<1x16xf32>,
      %get3A_256 = arith.index_cast %scan3A_28 : i32 to index
      %get3A_257 = arith.constant 176 : index
      %get3A_258 = tpu.vector_load %arg8[%get3A_256, %get3A_257] {strides = array<i32>} : memref<48x512xi32, #tpu.memory_space<vmem>>, vector<1x16xi32>,
      %get3A_259 = vector.shape_cast %get3A_258 : vector<1x16xi32> to vector<16xi32>
      %get3A_260 = arith.index_cast %scan3A_28 : i32 to index
      %get3A_261 = arith.constant 368 : index
      %get3A_262 = tpu.vector_load %arg9[%get3A_260, %get3A_261] {strides = array<i32>} : memref<48x512xf32, #tpu.memory_space<vmem>>, vector<1x16xf32>,
      %get3A_263 = vector.shape_cast %get3A_262 : vector<1x16xf32> to vector<16xf32>
      %get3A_264 = arith.index_cast %scan3A_28 : i32 to index
      %get3A_265 = arith.constant 176 : index
      %get3A_266 = tpu.vector_load %arg7[%get3A_264, %get3A_265] {strides = array<i32>} : memref<48x512xf32, #tpu.memory_space<vmem>>, vector<1x16xf32>,
      %get3A_267 = vector.shape_cast %get3A_266 : vector<1x16xf32> to vector<16xf32>
      %gt3A_268 = arith.constant 0 : i32
      %gt3A_269 = vector.broadcast %gt3A_268 : i32 to vector<16xi32>
      %gt3A_270 = arith.cmpi sgt, %get3A_259, %gt3A_269 : vector<16xi32>
      %select_n3A_271 = arith.select %gt3A_270, %get3A_263, %get3A_267 : vector<16xi1>, vector<16xf32>
      %swap3A_272 = arith.index_cast %scan3A_28 : i32 to index
      %swap3A_273 = arith.constant 176 : index
      %swap3A_274 = tpu.vector_load %arg7[%swap3A_272, %swap3A_273] {strides = array<i32>} : memref<48x512xf32, #tpu.memory_space<vmem>>, vector<1x16xf32>,
      %swap3A_275 = vector.shape_cast %swap3A_274 : vector<1x16xf32> to vector<16xf32>
      %swap3A_276 = vector.shape_cast %select_n3A_271 : vector<16xf32> to vector<1x16xf32>
      tpu.vector_store %arg7[%swap3A_272, %swap3A_273], %swap3A_276 {strides = array<i32>} : memref<48x512xf32, #tpu.memory_space<vmem>>, vector<1x16xf32>,
      %get3A_277 = arith.index_cast %scan3A_28 : i32 to index
      %get3A_278 = arith.constant 192 : index
      %get3A_279 = tpu.vector_load %arg8[%get3A_277, %get3A_278] {strides = array<i32>} : memref<48x512xi32, #tpu.memory_space<vmem>>, vector<1x16xi32>,
      %get3A_280 = vector.shape_cast %get3A_279 : vector<1x16xi32> to vector<16xi32>
      %get3A_281 = arith.index_cast %scan3A_28 : i32 to index
      %get3A_282 = arith.constant 384 : index
      %get3A_283 = tpu.vector_load %arg9[%get3A_281, %get3A_282] {strides = array<i32>} : memref<48x512xf32, #tpu.memory_space<vmem>>, vector<1x16xf32>,
      %get3A_284 = vector.shape_cast %get3A_283 : vector<1x16xf32> to vector<16xf32>
      %get3A_285 = arith.index_cast %scan3A_28 : i32 to index
      %get3A_286 = arith.constant 192 : index
      %get3A_287 = tpu.vector_load %arg7[%get3A_285, %get3A_286] {strides = array<i32>} : memref<48x512xf32, #tpu.memory_space<vmem>>, vector<1x16xf32>,
      %get3A_288 = vector.shape_cast %get3A_287 : vector<1x16xf32> to vector<16xf32>
      %gt3A_289 = arith.constant 0 : i32
      %gt3A_290 = vector.broadcast %gt3A_289 : i32 to vector<16xi32>
      %gt3A_291 = arith.cmpi sgt, %get3A_280, %gt3A_290 : vector<16xi32>
      %select_n3A_292 = arith.select %gt3A_291, %get3A_284, %get3A_288 : vector<16xi1>, vector<16xf32>
      %swap3A_293 = arith.index_cast %scan3A_28 : i32 to index
      %swap3A_294 = arith.constant 192 : index
      %swap3A_295 = tpu.vector_load %arg7[%swap3A_293, %swap3A_294] {strides = array<i32>} : memref<48x512xf32, #tpu.memory_space<vmem>>, vector<1x16xf32>,
      %swap3A_296 = vector.shape_cast %swap3A_295 : vector<1x16xf32> to vector<16xf32>
      %swap3A_297 = vector.shape_cast %select_n3A_292 : vector<16xf32> to vector<1x16xf32>
      tpu.vector_store %arg7[%swap3A_293, %swap3A_294], %swap3A_297 {strides = array<i32>} : memref<48x512xf32, #tpu.memory_space<vmem>>, vector<1x16xf32>,
      %get3A_298 = arith.index_cast %scan3A_28 : i32 to index
      %get3A_299 = arith.constant 208 : index
      %get3A_300 = tpu.vector_load %arg8[%get3A_298, %get3A_299] {strides = array<i32>} : memref<48x512xi32, #tpu.memory_space<vmem>>, vector<1x16xi32>,
      %get3A_301 = vector.shape_cast %get3A_300 : vector<1x16xi32> to vector<16xi32>
      %get3A_302 = arith.index_cast %scan3A_28 : i32 to index
      %get3A_303 = arith.constant 400 : index
      %get3A_304 = tpu.vector_load %arg9[%get3A_302, %get3A_303] {strides = array<i32>} : memref<48x512xf32, #tpu.memory_space<vmem>>, vector<1x16xf32>,
      %get3A_305 = vector.shape_cast %get3A_304 : vector<1x16xf32> to vector<16xf32>
      %get3A_306 = arith.index_cast %scan3A_28 : i32 to index
      %get3A_307 = arith.constant 208 : index
      %get3A_308 = tpu.vector_load %arg7[%get3A_306, %get3A_307] {strides = array<i32>} : memref<48x512xf32, #tpu.memory_space<vmem>>, vector<1x16xf32>,
      %get3A_309 = vector.shape_cast %get3A_308 : vector<1x16xf32> to vector<16xf32>
      %gt3A_310 = arith.constant 0 : i32
      %gt3A_311 = vector.broadcast %gt3A_310 : i32 to vector<16xi32>
      %gt3A_312 = arith.cmpi sgt, %get3A_301, %gt3A_311 : vector<16xi32>
      %select_n3A_313 = arith.select %gt3A_312, %get3A_305, %get3A_309 : vector<16xi1>, vector<16xf32>
      %swap3A_314 = arith.index_cast %scan3A_28 : i32 to index
      %swap3A_315 = arith.constant 208 : index
      %swap3A_316 = tpu.vector_load %arg7[%swap3A_314, %swap3A_315] {strides = array<i32>} : memref<48x512xf32, #tpu.memory_space<vmem>>, vector<1x16xf32>,
      %swap3A_317 = vector.shape_cast %swap3A_316 : vector<1x16xf32> to vector<16xf32>
      %swap3A_318 = vector.shape_cast %select_n3A_313 : vector<16xf32> to vector<1x16xf32>
      tpu.vector_store %arg7[%swap3A_314, %swap3A_315], %swap3A_318 {strides = array<i32>} : memref<48x512xf32, #tpu.memory_space<vmem>>, vector<1x16xf32>,
      %get3A_319 = arith.index_cast %scan3A_28 : i32 to index
      %get3A_320 = arith.constant 224 : index
      %get3A_321 = tpu.vector_load %arg8[%get3A_319, %get3A_320] {strides = array<i32>} : memref<48x512xi32, #tpu.memory_space<vmem>>, vector<1x16xi32>,
      %get3A_322 = vector.shape_cast %get3A_321 : vector<1x16xi32> to vector<16xi32>
      %get3A_323 = arith.index_cast %scan3A_28 : i32 to index
      %get3A_324 = arith.constant 416 : index
      %get3A_325 = tpu.vector_load %arg9[%get3A_323, %get3A_324] {strides = array<i32>} : memref<48x512xf32, #tpu.memory_space<vmem>>, vector<1x16xf32>,
      %get3A_326 = vector.shape_cast %get3A_325 : vector<1x16xf32> to vector<16xf32>
      %get3A_327 = arith.index_cast %scan3A_28 : i32 to index
      %get3A_328 = arith.constant 224 : index
      %get3A_329 = tpu.vector_load %arg7[%get3A_327, %get3A_328] {strides = array<i32>} : memref<48x512xf32, #tpu.memory_space<vmem>>, vector<1x16xf32>,
      %get3A_330 = vector.shape_cast %get3A_329 : vector<1x16xf32> to vector<16xf32>
      %gt3A_331 = arith.constant 0 : i32
      %gt3A_332 = vector.broadcast %gt3A_331 : i32 to vector<16xi32>
      %gt3A_333 = arith.cmpi sgt, %get3A_322, %gt3A_332 : vector<16xi32>
      %select_n3A_334 = arith.select %gt3A_333, %get3A_326, %get3A_330 : vector<16xi1>, vector<16xf32>
      %swap3A_335 = arith.index_cast %scan3A_28 : i32 to index
      %swap3A_336 = arith.constant 224 : index
      %swap3A_337 = tpu.vector_load %arg7[%swap3A_335, %swap3A_336] {strides = array<i32>} : memref<48x512xf32, #tpu.memory_space<vmem>>, vector<1x16xf32>,
      %swap3A_338 = vector.shape_cast %swap3A_337 : vector<1x16xf32> to vector<16xf32>
      %swap3A_339 = vector.shape_cast %select_n3A_334 : vector<16xf32> to vector<1x16xf32>
      tpu.vector_store %arg7[%swap3A_335, %swap3A_336], %swap3A_339 {strides = array<i32>} : memref<48x512xf32, #tpu.memory_space<vmem>>, vector<1x16xf32>,
      %get3A_340 = arith.index_cast %scan3A_28 : i32 to index
      %get3A_341 = arith.constant 240 : index
      %get3A_342 = tpu.vector_load %arg8[%get3A_340, %get3A_341] {strides = array<i32>} : memref<48x512xi32, #tpu.memory_space<vmem>>, vector<1x16xi32>,
      %get3A_343 = vector.shape_cast %get3A_342 : vector<1x16xi32> to vector<16xi32>
      %get3A_344 = arith.index_cast %scan3A_28 : i32 to index
      %get3A_345 = arith.constant 432 : index
      %get3A_346 = tpu.vector_load %arg9[%get3A_344, %get3A_345] {strides = array<i32>} : memref<48x512xf32, #tpu.memory_space<vmem>>, vector<1x16xf32>,
      %get3A_347 = vector.shape_cast %get3A_346 : vector<1x16xf32> to vector<16xf32>
      %get3A_348 = arith.index_cast %scan3A_28 : i32 to index
      %get3A_349 = arith.constant 240 : index
      %get3A_350 = tpu.vector_load %arg7[%get3A_348, %get3A_349] {strides = array<i32>} : memref<48x512xf32, #tpu.memory_space<vmem>>, vector<1x16xf32>,
      %get3A_351 = vector.shape_cast %get3A_350 : vector<1x16xf32> to vector<16xf32>
      %gt3A_352 = arith.constant 0 : i32
      %gt3A_353 = vector.broadcast %gt3A_352 : i32 to vector<16xi32>
      %gt3A_354 = arith.cmpi sgt, %get3A_343, %gt3A_353 : vector<16xi32>
      %select_n3A_355 = arith.select %gt3A_354, %get3A_347, %get3A_351 : vector<16xi1>, vector<16xf32>
      %swap3A_356 = arith.index_cast %scan3A_28 : i32 to index
      %swap3A_357 = arith.constant 240 : index
      %swap3A_358 = tpu.vector_load %arg7[%swap3A_356, %swap3A_357] {strides = array<i32>} : memref<48x512xf32, #tpu.memory_space<vmem>>, vector<1x16xf32>,
      %swap3A_359 = vector.shape_cast %swap3A_358 : vector<1x16xf32> to vector<16xf32>
      %swap3A_360 = vector.shape_cast %select_n3A_355 : vector<16xf32> to vector<1x16xf32>
      tpu.vector_store %arg7[%swap3A_356, %swap3A_357], %swap3A_360 {strides = array<i32>} : memref<48x512xf32, #tpu.memory_space<vmem>>, vector<1x16xf32>,
      %get3A_361 = arith.index_cast %scan3A_28 : i32 to index
      %get3A_362 = arith.constant 256 : index
      %get3A_363 = tpu.vector_load %arg8[%get3A_361, %get3A_362] {strides = array<i32>} : memref<48x512xi32, #tpu.memory_space<vmem>>, vector<1x16xi32>,
      %get3A_364 = vector.shape_cast %get3A_363 : vector<1x16xi32> to vector<16xi32>
      %get3A_365 = arith.index_cast %scan3A_28 : i32 to index
      %get3A_366 = arith.constant 448 : index
      %get3A_367 = tpu.vector_load %arg9[%get3A_365, %get3A_366] {strides = array<i32>} : memref<48x512xf32, #tpu.memory_space<vmem>>, vector<1x16xf32>,
      %get3A_368 = vector.shape_cast %get3A_367 : vector<1x16xf32> to vector<16xf32>
      %get3A_369 = arith.index_cast %scan3A_28 : i32 to index
      %get3A_370 = arith.constant 256 : index
      %get3A_371 = tpu.vector_load %arg7[%get3A_369, %get3A_370] {strides = array<i32>} : memref<48x512xf32, #tpu.memory_space<vmem>>, vector<1x16xf32>,
      %get3A_372 = vector.shape_cast %get3A_371 : vector<1x16xf32> to vector<16xf32>
      %gt3A_373 = arith.constant 0 : i32
      %gt3A_374 = vector.broadcast %gt3A_373 : i32 to vector<16xi32>
      %gt3A_375 = arith.cmpi sgt, %get3A_364, %gt3A_374 : vector<16xi32>
      %select_n3A_376 = arith.select %gt3A_375, %get3A_368, %get3A_372 : vector<16xi1>, vector<16xf32>
      %swap3A_377 = arith.index_cast %scan3A_28 : i32 to index
      %swap3A_378 = arith.constant 256 : index
      %swap3A_379 = tpu.vector_load %arg7[%swap3A_377, %swap3A_378] {strides = array<i32>} : memref<48x512xf32, #tpu.memory_space<vmem>>, vector<1x16xf32>,
      %swap3A_380 = vector.shape_cast %swap3A_379 : vector<1x16xf32> to vector<16xf32>
      %swap3A_381 = vector.shape_cast %select_n3A_376 : vector<16xf32> to vector<1x16xf32>
      tpu.vector_store %arg7[%swap3A_377, %swap3A_378], %swap3A_381 {strides = array<i32>} : memref<48x512xf32, #tpu.memory_space<vmem>>, vector<1x16xf32>,
      %get3A_382 = arith.index_cast %scan3A_28 : i32 to index
      %get3A_383 = arith.constant 272 : index
      %get3A_384 = tpu.vector_load %arg8[%get3A_382, %get3A_383] {strides = array<i32>} : memref<48x512xi32, #tpu.memory_space<vmem>>, vector<1x16xi32>,
      %get3A_385 = vector.shape_cast %get3A_384 : vector<1x16xi32> to vector<16xi32>
      %get3A_386 = arith.index_cast %scan3A_28 : i32 to index
      %get3A_387 = arith.constant 464 : index
      %get3A_388 = tpu.vector_load %arg9[%get3A_386, %get3A_387] {strides = array<i32>} : memref<48x512xf32, #tpu.memory_space<vmem>>, vector<1x16xf32>,
      %get3A_389 = vector.shape_cast %get3A_388 : vector<1x16xf32> to vector<16xf32>
      %get3A_390 = arith.index_cast %scan3A_28 : i32 to index
      %get3A_391 = arith.constant 272 : index
      %get3A_392 = tpu.vector_load %arg7[%get3A_390, %get3A_391] {strides = array<i32>} : memref<48x512xf32, #tpu.memory_space<vmem>>, vector<1x16xf32>,
      %get3A_393 = vector.shape_cast %get3A_392 : vector<1x16xf32> to vector<16xf32>
      %gt3A_394 = arith.constant 0 : i32
      %gt3A_395 = vector.broadcast %gt3A_394 : i32 to vector<16xi32>
      %gt3A_396 = arith.cmpi sgt, %get3A_385, %gt3A_395 : vector<16xi32>
      %select_n3A_397 = arith.select %gt3A_396, %get3A_389, %get3A_393 : vector<16xi1>, vector<16xf32>
      %swap3A_398 = arith.index_cast %scan3A_28 : i32 to index
      %swap3A_399 = arith.constant 272 : index
      %swap3A_400 = tpu.vector_load %arg7[%swap3A_398, %swap3A_399] {strides = array<i32>} : memref<48x512xf32, #tpu.memory_space<vmem>>, vector<1x16xf32>,
      %swap3A_401 = vector.shape_cast %swap3A_400 : vector<1x16xf32> to vector<16xf32>
      %swap3A_402 = vector.shape_cast %select_n3A_397 : vector<16xf32> to vector<1x16xf32>
      tpu.vector_store %arg7[%swap3A_398, %swap3A_399], %swap3A_402 {strides = array<i32>} : memref<48x512xf32, #tpu.memory_space<vmem>>, vector<1x16xf32>,
      %get3A_403 = arith.index_cast %scan3A_28 : i32 to index
      %get3A_404 = arith.constant 288 : index
      %get3A_405 = tpu.vector_load %arg8[%get3A_403, %get3A_404] {strides = array<i32>} : memref<48x512xi32, #tpu.memory_space<vmem>>, vector<1x16xi32>,
      %get3A_406 = vector.shape_cast %get3A_405 : vector<1x16xi32> to vector<16xi32>
      %get3A_407 = arith.index_cast %scan3A_28 : i32 to index
      %get3A_408 = arith.constant 480 : index
      %get3A_409 = tpu.vector_load %arg9[%get3A_407, %get3A_408] {strides = array<i32>} : memref<48x512xf32, #tpu.memory_space<vmem>>, vector<1x16xf32>,
      %get3A_410 = vector.shape_cast %get3A_409 : vector<1x16xf32> to vector<16xf32>
      %get3A_411 = arith.index_cast %scan3A_28 : i32 to index
      %get3A_412 = arith.constant 288 : index
      %get3A_413 = tpu.vector_load %arg7[%get3A_411, %get3A_412] {strides = array<i32>} : memref<48x512xf32, #tpu.memory_space<vmem>>, vector<1x16xf32>,
      %get3A_414 = vector.shape_cast %get3A_413 : vector<1x16xf32> to vector<16xf32>
      %gt3A_415 = arith.constant 0 : i32
      %gt3A_416 = vector.broadcast %gt3A_415 : i32 to vector<16xi32>
      %gt3A_417 = arith.cmpi sgt, %get3A_406, %gt3A_416 : vector<16xi32>
      %select_n3A_418 = arith.select %gt3A_417, %get3A_410, %get3A_414 : vector<16xi1>, vector<16xf32>
      %swap3A_419 = arith.index_cast %scan3A_28 : i32 to index
      %swap3A_420 = arith.constant 288 : index
      %swap3A_421 = tpu.vector_load %arg7[%swap3A_419, %swap3A_420] {strides = array<i32>} : memref<48x512xf32, #tpu.memory_space<vmem>>, vector<1x16xf32>,
      %swap3A_422 = vector.shape_cast %swap3A_421 : vector<1x16xf32> to vector<16xf32>
      %swap3A_423 = vector.shape_cast %select_n3A_418 : vector<16xf32> to vector<1x16xf32>
      tpu.vector_store %arg7[%swap3A_419, %swap3A_420], %swap3A_423 {strides = array<i32>} : memref<48x512xf32, #tpu.memory_space<vmem>>, vector<1x16xf32>,
      %get3A_424 = arith.index_cast %scan3A_28 : i32 to index
      %get3A_425 = arith.constant 304 : index
      %get3A_426 = tpu.vector_load %arg8[%get3A_424, %get3A_425] {strides = array<i32>} : memref<48x512xi32, #tpu.memory_space<vmem>>, vector<1x16xi32>,
      %get3A_427 = vector.shape_cast %get3A_426 : vector<1x16xi32> to vector<16xi32>
      %get3A_428 = arith.index_cast %scan3A_28 : i32 to index
      %get3A_429 = arith.constant 496 : index
      %get3A_430 = tpu.vector_load %arg9[%get3A_428, %get3A_429] {strides = array<i32>} : memref<48x512xf32, #tpu.memory_space<vmem>>, vector<1x16xf32>,
      %get3A_431 = vector.shape_cast %get3A_430 : vector<1x16xf32> to vector<16xf32>
      %get3A_432 = arith.index_cast %scan3A_28 : i32 to index
      %get3A_433 = arith.constant 304 : index
      %get3A_434 = tpu.vector_load %arg7[%get3A_432, %get3A_433] {strides = array<i32>} : memref<48x512xf32, #tpu.memory_space<vmem>>, vector<1x16xf32>,
      %get3A_435 = vector.shape_cast %get3A_434 : vector<1x16xf32> to vector<16xf32>
      %gt3A_436 = arith.constant 0 : i32
      %gt3A_437 = vector.broadcast %gt3A_436 : i32 to vector<16xi32>
      %gt3A_438 = arith.cmpi sgt, %get3A_427, %gt3A_437 : vector<16xi32>
      %select_n3A_439 = arith.select %gt3A_438, %get3A_431, %get3A_435 : vector<16xi1>, vector<16xf32>
      %swap3A_440 = arith.index_cast %scan3A_28 : i32 to index
      %swap3A_441 = arith.constant 304 : index
      %swap3A_442 = tpu.vector_load %arg7[%swap3A_440, %swap3A_441] {strides = array<i32>} : memref<48x512xf32, #tpu.memory_space<vmem>>, vector<1x16xf32>,
      %swap3A_443 = vector.shape_cast %swap3A_442 : vector<1x16xf32> to vector<16xf32>
      %swap3A_444 = vector.shape_cast %select_n3A_439 : vector<16xf32> to vector<1x16xf32>
      tpu.vector_store %arg7[%swap3A_440, %swap3A_441], %swap3A_444 {strides = array<i32>} : memref<48x512xf32, #tpu.memory_space<vmem>>, vector<1x16xf32>,
      %get3A_445 = arith.index_cast %scan3A_28 : i32 to index
      %get3A_446 = arith.constant 320 : index
      %get3A_447 = tpu.vector_load %arg8[%get3A_445, %get3A_446] {strides = array<i32>} : memref<48x512xi32, #tpu.memory_space<vmem>>, vector<1x16xi32>,
      %get3A_448 = vector.shape_cast %get3A_447 : vector<1x16xi32> to vector<16xi32>
      %get3A_449 = arith.index_cast %scan3A_28 : i32 to index
      %get3A_450 = arith.constant 0 : index
      %get3A_451 = tpu.vector_load %arg9[%get3A_449, %get3A_450] {strides = array<i32>} : memref<48x512xf32, #tpu.memory_space<vmem>>, vector<1x16xf32>,
      %get3A_452 = vector.shape_cast %get3A_451 : vector<1x16xf32> to vector<16xf32>
      %get3A_453 = arith.index_cast %scan3A_28 : i32 to index
      %get3A_454 = arith.constant 320 : index
      %get3A_455 = tpu.vector_load %arg7[%get3A_453, %get3A_454] {strides = array<i32>} : memref<48x512xf32, #tpu.memory_space<vmem>>, vector<1x16xf32>,
      %get3A_456 = vector.shape_cast %get3A_455 : vector<1x16xf32> to vector<16xf32>
      %gt3A_457 = arith.constant 0 : i32
      %gt3A_458 = vector.broadcast %gt3A_457 : i32 to vector<16xi32>
      %gt3A_459 = arith.cmpi sgt, %get3A_448, %gt3A_458 : vector<16xi32>
      %select_n3A_460 = arith.select %gt3A_459, %get3A_452, %get3A_456 : vector<16xi1>, vector<16xf32>
      %swap3A_461 = arith.index_cast %scan3A_28 : i32 to index
      %swap3A_462 = arith.constant 320 : index
      %swap3A_463 = tpu.vector_load %arg7[%swap3A_461, %swap3A_462] {strides = array<i32>} : memref<48x512xf32, #tpu.memory_space<vmem>>, vector<1x16xf32>,
      %swap3A_464 = vector.shape_cast %swap3A_463 : vector<1x16xf32> to vector<16xf32>
      %swap3A_465 = vector.shape_cast %select_n3A_460 : vector<16xf32> to vector<1x16xf32>
      tpu.vector_store %arg7[%swap3A_461, %swap3A_462], %swap3A_465 {strides = array<i32>} : memref<48x512xf32, #tpu.memory_space<vmem>>, vector<1x16xf32>,
      %get3A_466 = arith.index_cast %scan3A_28 : i32 to index
      %get3A_467 = arith.constant 336 : index
      %get3A_468 = tpu.vector_load %arg8[%get3A_466, %get3A_467] {strides = array<i32>} : memref<48x512xi32, #tpu.memory_space<vmem>>, vector<1x16xi32>,
      %get3A_469 = vector.shape_cast %get3A_468 : vector<1x16xi32> to vector<16xi32>
      %get3A_470 = arith.index_cast %scan3A_28 : i32 to index
      %get3A_471 = arith.constant 16 : index
      %get3A_472 = tpu.vector_load %arg9[%get3A_470, %get3A_471] {strides = array<i32>} : memref<48x512xf32, #tpu.memory_space<vmem>>, vector<1x16xf32>,
      %get3A_473 = vector.shape_cast %get3A_472 : vector<1x16xf32> to vector<16xf32>
      %get3A_474 = arith.index_cast %scan3A_28 : i32 to index
      %get3A_475 = arith.constant 336 : index
      %get3A_476 = tpu.vector_load %arg7[%get3A_474, %get3A_475] {strides = array<i32>} : memref<48x512xf32, #tpu.memory_space<vmem>>, vector<1x16xf32>,
      %get3A_477 = vector.shape_cast %get3A_476 : vector<1x16xf32> to vector<16xf32>
      %gt3A_478 = arith.constant 0 : i32
      %gt3A_479 = vector.broadcast %gt3A_478 : i32 to vector<16xi32>
      %gt3A_480 = arith.cmpi sgt, %get3A_469, %gt3A_479 : vector<16xi32>
      %select_n3A_481 = arith.select %gt3A_480, %get3A_473, %get3A_477 : vector<16xi1>, vector<16xf32>
      %swap3A_482 = arith.index_cast %scan3A_28 : i32 to index
      %swap3A_483 = arith.constant 336 : index
      %swap3A_484 = tpu.vector_load %arg7[%swap3A_482, %swap3A_483] {strides = array<i32>} : memref<48x512xf32, #tpu.memory_space<vmem>>, vector<1x16xf32>,
      %swap3A_485 = vector.shape_cast %swap3A_484 : vector<1x16xf32> to vector<16xf32>
      %swap3A_486 = vector.shape_cast %select_n3A_481 : vector<16xf32> to vector<1x16xf32>
      tpu.vector_store %arg7[%swap3A_482, %swap3A_483], %swap3A_486 {strides = array<i32>} : memref<48x512xf32, #tpu.memory_space<vmem>>, vector<1x16xf32>,
      %get3A_487 = arith.index_cast %scan3A_28 : i32 to index
      %get3A_488 = arith.constant 352 : index
      %get3A_489 = tpu.vector_load %arg8[%get3A_487, %get3A_488] {strides = array<i32>} : memref<48x512xi32, #tpu.memory_space<vmem>>, vector<1x16xi32>,
      %get3A_490 = vector.shape_cast %get3A_489 : vector<1x16xi32> to vector<16xi32>
      %get3A_491 = arith.index_cast %scan3A_28 : i32 to index
      %get3A_492 = arith.constant 32 : index
      %get3A_493 = tpu.vector_load %arg9[%get3A_491, %get3A_492] {strides = array<i32>} : memref<48x512xf32, #tpu.memory_space<vmem>>, vector<1x16xf32>,
      %get3A_494 = vector.shape_cast %get3A_493 : vector<1x16xf32> to vector<16xf32>
      %get3A_495 = arith.index_cast %scan3A_28 : i32 to index
      %get3A_496 = arith.constant 352 : index
      %get3A_497 = tpu.vector_load %arg7[%get3A_495, %get3A_496] {strides = array<i32>} : memref<48x512xf32, #tpu.memory_space<vmem>>, vector<1x16xf32>,
      %get3A_498 = vector.shape_cast %get3A_497 : vector<1x16xf32> to vector<16xf32>
      %gt3A_499 = arith.constant 0 : i32
      %gt3A_500 = vector.broadcast %gt3A_499 : i32 to vector<16xi32>
      %gt3A_501 = arith.cmpi sgt, %get3A_490, %gt3A_500 : vector<16xi32>
      %select_n3A_502 = arith.select %gt3A_501, %get3A_494, %get3A_498 : vector<16xi1>, vector<16xf32>
      %swap3A_503 = arith.index_cast %scan3A_28 : i32 to index
      %swap3A_504 = arith.constant 352 : index
      %swap3A_505 = tpu.vector_load %arg7[%swap3A_503, %swap3A_504] {strides = array<i32>} : memref<48x512xf32, #tpu.memory_space<vmem>>, vector<1x16xf32>,
      %swap3A_506 = vector.shape_cast %swap3A_505 : vector<1x16xf32> to vector<16xf32>
      %swap3A_507 = vector.shape_cast %select_n3A_502 : vector<16xf32> to vector<1x16xf32>
      tpu.vector_store %arg7[%swap3A_503, %swap3A_504], %swap3A_507 {strides = array<i32>} : memref<48x512xf32, #tpu.memory_space<vmem>>, vector<1x16xf32>,
      %get3A_508 = arith.index_cast %scan3A_28 : i32 to index
      %get3A_509 = arith.constant 368 : index
      %get3A_510 = tpu.vector_load %arg8[%get3A_508, %get3A_509] {strides = array<i32>} : memref<48x512xi32, #tpu.memory_space<vmem>>, vector<1x16xi32>,
      %get3A_511 = vector.shape_cast %get3A_510 : vector<1x16xi32> to vector<16xi32>
      %get3A_512 = arith.index_cast %scan3A_28 : i32 to index
      %get3A_513 = arith.constant 48 : index
      %get3A_514 = tpu.vector_load %arg9[%get3A_512, %get3A_513] {strides = array<i32>} : memref<48x512xf32, #tpu.memory_space<vmem>>, vector<1x16xf32>,
      %get3A_515 = vector.shape_cast %get3A_514 : vector<1x16xf32> to vector<16xf32>
      %get3A_516 = arith.index_cast %scan3A_28 : i32 to index
      %get3A_517 = arith.constant 368 : index
      %get3A_518 = tpu.vector_load %arg7[%get3A_516, %get3A_517] {strides = array<i32>} : memref<48x512xf32, #tpu.memory_space<vmem>>, vector<1x16xf32>,
      %get3A_519 = vector.shape_cast %get3A_518 : vector<1x16xf32> to vector<16xf32>
      %gt3A_520 = arith.constant 0 : i32
      %gt3A_521 = vector.broadcast %gt3A_520 : i32 to vector<16xi32>
      %gt3A_522 = arith.cmpi sgt, %get3A_511, %gt3A_521 : vector<16xi32>
      %select_n3A_523 = arith.select %gt3A_522, %get3A_515, %get3A_519 : vector<16xi1>, vector<16xf32>
      %swap3A_524 = arith.index_cast %scan3A_28 : i32 to index
      %swap3A_525 = arith.constant 368 : index
      %swap3A_526 = tpu.vector_load %arg7[%swap3A_524, %swap3A_525] {strides = array<i32>} : memref<48x512xf32, #tpu.memory_space<vmem>>, vector<1x16xf32>,
      %swap3A_527 = vector.shape_cast %swap3A_526 : vector<1x16xf32> to vector<16xf32>
      %swap3A_528 = vector.shape_cast %select_n3A_523 : vector<16xf32> to vector<1x16xf32>
      tpu.vector_store %arg7[%swap3A_524, %swap3A_525], %swap3A_528 {strides = array<i32>} : memref<48x512xf32, #tpu.memory_space<vmem>>, vector<1x16xf32>,
      %get3A_529 = arith.index_cast %scan3A_28 : i32 to index
      %get3A_530 = arith.constant 384 : index
      %get3A_531 = tpu.vector_load %arg8[%get3A_529, %get3A_530] {strides = array<i32>} : memref<48x512xi32, #tpu.memory_space<vmem>>, vector<1x16xi32>,
      %get3A_532 = vector.shape_cast %get3A_531 : vector<1x16xi32> to vector<16xi32>
      %get3A_533 = arith.index_cast %scan3A_28 : i32 to index
      %get3A_534 = arith.constant 64 : index
      %get3A_535 = tpu.vector_load %arg9[%get3A_533, %get3A_534] {strides = array<i32>} : memref<48x512xf32, #tpu.memory_space<vmem>>, vector<1x16xf32>,
      %get3A_536 = vector.shape_cast %get3A_535 : vector<1x16xf32> to vector<16xf32>
      %get3A_537 = arith.index_cast %scan3A_28 : i32 to index
      %get3A_538 = arith.constant 384 : index
      %get3A_539 = tpu.vector_load %arg7[%get3A_537, %get3A_538] {strides = array<i32>} : memref<48x512xf32, #tpu.memory_space<vmem>>, vector<1x16xf32>,
      %get3A_540 = vector.shape_cast %get3A_539 : vector<1x16xf32> to vector<16xf32>
      %gt3A_541 = arith.constant 0 : i32
      %gt3A_542 = vector.broadcast %gt3A_541 : i32 to vector<16xi32>
      %gt3A_543 = arith.cmpi sgt, %get3A_532, %gt3A_542 : vector<16xi32>
      %select_n3A_544 = arith.select %gt3A_543, %get3A_536, %get3A_540 : vector<16xi1>, vector<16xf32>
      %swap3A_545 = arith.index_cast %scan3A_28 : i32 to index
      %swap3A_546 = arith.constant 384 : index
      %swap3A_547 = tpu.vector_load %arg7[%swap3A_545, %swap3A_546] {strides = array<i32>} : memref<48x512xf32, #tpu.memory_space<vmem>>, vector<1x16xf32>,
      %swap3A_548 = vector.shape_cast %swap3A_547 : vector<1x16xf32> to vector<16xf32>
      %swap3A_549 = vector.shape_cast %select_n3A_544 : vector<16xf32> to vector<1x16xf32>
      tpu.vector_store %arg7[%swap3A_545, %swap3A_546], %swap3A_549 {strides = array<i32>} : memref<48x512xf32, #tpu.memory_space<vmem>>, vector<1x16xf32>,
      %get3A_550 = arith.index_cast %scan3A_28 : i32 to index
      %get3A_551 = arith.constant 400 : index
      %get3A_552 = tpu.vector_load %arg8[%get3A_550, %get3A_551] {strides = array<i32>} : memref<48x512xi32, #tpu.memory_space<vmem>>, vector<1x16xi32>,
      %get3A_553 = vector.shape_cast %get3A_552 : vector<1x16xi32> to vector<16xi32>
      %get3A_554 = arith.index_cast %scan3A_28 : i32 to index
      %get3A_555 = arith.constant 80 : index
      %get3A_556 = tpu.vector_load %arg9[%get3A_554, %get3A_555] {strides = array<i32>} : memref<48x512xf32, #tpu.memory_space<vmem>>, vector<1x16xf32>,
      %get3A_557 = vector.shape_cast %get3A_556 : vector<1x16xf32> to vector<16xf32>
      %get3A_558 = arith.index_cast %scan3A_28 : i32 to index
      %get3A_559 = arith.constant 400 : index
      %get3A_560 = tpu.vector_load %arg7[%get3A_558, %get3A_559] {strides = array<i32>} : memref<48x512xf32, #tpu.memory_space<vmem>>, vector<1x16xf32>,
      %get3A_561 = vector.shape_cast %get3A_560 : vector<1x16xf32> to vector<16xf32>
      %gt3A_562 = arith.constant 0 : i32
      %gt3A_563 = vector.broadcast %gt3A_562 : i32 to vector<16xi32>
      %gt3A_564 = arith.cmpi sgt, %get3A_553, %gt3A_563 : vector<16xi32>
      %select_n3A_565 = arith.select %gt3A_564, %get3A_557, %get3A_561 : vector<16xi1>, vector<16xf32>
      %swap3A_566 = arith.index_cast %scan3A_28 : i32 to index
      %swap3A_567 = arith.constant 400 : index
      %swap3A_568 = tpu.vector_load %arg7[%swap3A_566, %swap3A_567] {strides = array<i32>} : memref<48x512xf32, #tpu.memory_space<vmem>>, vector<1x16xf32>,
      %swap3A_569 = vector.shape_cast %swap3A_568 : vector<1x16xf32> to vector<16xf32>
      %swap3A_570 = vector.shape_cast %select_n3A_565 : vector<16xf32> to vector<1x16xf32>
      tpu.vector_store %arg7[%swap3A_566, %swap3A_567], %swap3A_570 {strides = array<i32>} : memref<48x512xf32, #tpu.memory_space<vmem>>, vector<1x16xf32>,
      %get3A_571 = arith.index_cast %scan3A_28 : i32 to index
      %get3A_572 = arith.constant 416 : index
      %get3A_573 = tpu.vector_load %arg8[%get3A_571, %get3A_572] {strides = array<i32>} : memref<48x512xi32, #tpu.memory_space<vmem>>, vector<1x16xi32>,
      %get3A_574 = vector.shape_cast %get3A_573 : vector<1x16xi32> to vector<16xi32>
      %get3A_575 = arith.index_cast %scan3A_28 : i32 to index
      %get3A_576 = arith.constant 96 : index
      %get3A_577 = tpu.vector_load %arg9[%get3A_575, %get3A_576] {strides = array<i32>} : memref<48x512xf32, #tpu.memory_space<vmem>>, vector<1x16xf32>,
      %get3A_578 = vector.shape_cast %get3A_577 : vector<1x16xf32> to vector<16xf32>
      %get3A_579 = arith.index_cast %scan3A_28 : i32 to index
      %get3A_580 = arith.constant 416 : index
      %get3A_581 = tpu.vector_load %arg7[%get3A_579, %get3A_580] {strides = array<i32>} : memref<48x512xf32, #tpu.memory_space<vmem>>, vector<1x16xf32>,
      %get3A_582 = vector.shape_cast %get3A_581 : vector<1x16xf32> to vector<16xf32>
      %gt3A_583 = arith.constant 0 : i32
      %gt3A_584 = vector.broadcast %gt3A_583 : i32 to vector<16xi32>
      %gt3A_585 = arith.cmpi sgt, %get3A_574, %gt3A_584 : vector<16xi32>
      %select_n3A_586 = arith.select %gt3A_585, %get3A_578, %get3A_582 : vector<16xi1>, vector<16xf32>
      %swap3A_587 = arith.index_cast %scan3A_28 : i32 to index
      %swap3A_588 = arith.constant 416 : index
      %swap3A_589 = tpu.vector_load %arg7[%swap3A_587, %swap3A_588] {strides = array<i32>} : memref<48x512xf32, #tpu.memory_space<vmem>>, vector<1x16xf32>,
      %swap3A_590 = vector.shape_cast %swap3A_589 : vector<1x16xf32> to vector<16xf32>
      %swap3A_591 = vector.shape_cast %select_n3A_586 : vector<16xf32> to vector<1x16xf32>
      tpu.vector_store %arg7[%swap3A_587, %swap3A_588], %swap3A_591 {strides = array<i32>} : memref<48x512xf32, #tpu.memory_space<vmem>>, vector<1x16xf32>,
      %get3A_592 = arith.index_cast %scan3A_28 : i32 to index
      %get3A_593 = arith.constant 432 : index
      %get3A_594 = tpu.vector_load %arg8[%get3A_592, %get3A_593] {strides = array<i32>} : memref<48x512xi32, #tpu.memory_space<vmem>>, vector<1x16xi32>,
      %get3A_595 = vector.shape_cast %get3A_594 : vector<1x16xi32> to vector<16xi32>
      %get3A_596 = arith.index_cast %scan3A_28 : i32 to index
      %get3A_597 = arith.constant 112 : index
      %get3A_598 = tpu.vector_load %arg9[%get3A_596, %get3A_597] {strides = array<i32>} : memref<48x512xf32, #tpu.memory_space<vmem>>, vector<1x16xf32>,
      %get3A_599 = vector.shape_cast %get3A_598 : vector<1x16xf32> to vector<16xf32>
      %get3A_600 = arith.index_cast %scan3A_28 : i32 to index
      %get3A_601 = arith.constant 432 : index
      %get3A_602 = tpu.vector_load %arg7[%get3A_600, %get3A_601] {strides = array<i32>} : memref<48x512xf32, #tpu.memory_space<vmem>>, vector<1x16xf32>,
      %get3A_603 = vector.shape_cast %get3A_602 : vector<1x16xf32> to vector<16xf32>
      %gt3A_604 = arith.constant 0 : i32
      %gt3A_605 = vector.broadcast %gt3A_604 : i32 to vector<16xi32>
      %gt3A_606 = arith.cmpi sgt, %get3A_595, %gt3A_605 : vector<16xi32>
      %select_n3A_607 = arith.select %gt3A_606, %get3A_599, %get3A_603 : vector<16xi1>, vector<16xf32>
      %swap3A_608 = arith.index_cast %scan3A_28 : i32 to index
      %swap3A_609 = arith.constant 432 : index
      %swap3A_610 = tpu.vector_load %arg7[%swap3A_608, %swap3A_609] {strides = array<i32>} : memref<48x512xf32, #tpu.memory_space<vmem>>, vector<1x16xf32>,
      %swap3A_611 = vector.shape_cast %swap3A_610 : vector<1x16xf32> to vector<16xf32>
      %swap3A_612 = vector.shape_cast %select_n3A_607 : vector<16xf32> to vector<1x16xf32>
      tpu.vector_store %arg7[%swap3A_608, %swap3A_609], %swap3A_612 {strides = array<i32>} : memref<48x512xf32, #tpu.memory_space<vmem>>, vector<1x16xf32>,
      %get3A_613 = arith.index_cast %scan3A_28 : i32 to index
      %get3A_614 = arith.constant 448 : index
      %get3A_615 = tpu.vector_load %arg8[%get3A_613, %get3A_614] {strides = array<i32>} : memref<48x512xi32, #tpu.memory_space<vmem>>, vector<1x16xi32>,
      %get3A_616 = vector.shape_cast %get3A_615 : vector<1x16xi32> to vector<16xi32>
      %get3A_617 = arith.index_cast %scan3A_28 : i32 to index
      %get3A_618 = arith.constant 128 : index
      %get3A_619 = tpu.vector_load %arg9[%get3A_617, %get3A_618] {strides = array<i32>} : memref<48x512xf32, #tpu.memory_space<vmem>>, vector<1x16xf32>,
      %get3A_620 = vector.shape_cast %get3A_619 : vector<1x16xf32> to vector<16xf32>
      %get3A_621 = arith.index_cast %scan3A_28 : i32 to index
      %get3A_622 = arith.constant 448 : index
      %get3A_623 = tpu.vector_load %arg7[%get3A_621, %get3A_622] {strides = array<i32>} : memref<48x512xf32, #tpu.memory_space<vmem>>, vector<1x16xf32>,
      %get3A_624 = vector.shape_cast %get3A_623 : vector<1x16xf32> to vector<16xf32>
      %gt3A_625 = arith.constant 0 : i32
      %gt3A_626 = vector.broadcast %gt3A_625 : i32 to vector<16xi32>
      %gt3A_627 = arith.cmpi sgt, %get3A_616, %gt3A_626 : vector<16xi32>
      %select_n3A_628 = arith.select %gt3A_627, %get3A_620, %get3A_624 : vector<16xi1>, vector<16xf32>
      %swap3A_629 = arith.index_cast %scan3A_28 : i32 to index
      %swap3A_630 = arith.constant 448 : index
      %swap3A_631 = tpu.vector_load %arg7[%swap3A_629, %swap3A_630] {strides = array<i32>} : memref<48x512xf32, #tpu.memory_space<vmem>>, vector<1x16xf32>,
      %swap3A_632 = vector.shape_cast %swap3A_631 : vector<1x16xf32> to vector<16xf32>
      %swap3A_633 = vector.shape_cast %select_n3A_628 : vector<16xf32> to vector<1x16xf32>
      tpu.vector_store %arg7[%swap3A_629, %swap3A_630], %swap3A_633 {strides = array<i32>} : memref<48x512xf32, #tpu.memory_space<vmem>>, vector<1x16xf32>,
      %get3A_634 = arith.index_cast %scan3A_28 : i32 to index
      %get3A_635 = arith.constant 464 : index
      %get3A_636 = tpu.vector_load %arg8[%get3A_634, %get3A_635] {strides = array<i32>} : memref<48x512xi32, #tpu.memory_space<vmem>>, vector<1x16xi32>,
      %get3A_637 = vector.shape_cast %get3A_636 : vector<1x16xi32> to vector<16xi32>
      %get3A_638 = arith.index_cast %scan3A_28 : i32 to index
      %get3A_639 = arith.constant 144 : index
      %get3A_640 = tpu.vector_load %arg9[%get3A_638, %get3A_639] {strides = array<i32>} : memref<48x512xf32, #tpu.memory_space<vmem>>, vector<1x16xf32>,
      %get3A_641 = vector.shape_cast %get3A_640 : vector<1x16xf32> to vector<16xf32>
      %get3A_642 = arith.index_cast %scan3A_28 : i32 to index
      %get3A_643 = arith.constant 464 : index
      %get3A_644 = tpu.vector_load %arg7[%get3A_642, %get3A_643] {strides = array<i32>} : memref<48x512xf32, #tpu.memory_space<vmem>>, vector<1x16xf32>,
      %get3A_645 = vector.shape_cast %get3A_644 : vector<1x16xf32> to vector<16xf32>
      %gt3A_646 = arith.constant 0 : i32
      %gt3A_647 = vector.broadcast %gt3A_646 : i32 to vector<16xi32>
      %gt3A_648 = arith.cmpi sgt, %get3A_637, %gt3A_647 : vector<16xi32>
      %select_n3A_649 = arith.select %gt3A_648, %get3A_641, %get3A_645 : vector<16xi1>, vector<16xf32>
      %swap3A_650 = arith.index_cast %scan3A_28 : i32 to index
      %swap3A_651 = arith.constant 464 : index
      %swap3A_652 = tpu.vector_load %arg7[%swap3A_650, %swap3A_651] {strides = array<i32>} : memref<48x512xf32, #tpu.memory_space<vmem>>, vector<1x16xf32>,
      %swap3A_653 = vector.shape_cast %swap3A_652 : vector<1x16xf32> to vector<16xf32>
      %swap3A_654 = vector.shape_cast %select_n3A_649 : vector<16xf32> to vector<1x16xf32>
      tpu.vector_store %arg7[%swap3A_650, %swap3A_651], %swap3A_654 {strides = array<i32>} : memref<48x512xf32, #tpu.memory_space<vmem>>, vector<1x16xf32>,
      %get3A_655 = arith.index_cast %scan3A_28 : i32 to index
      %get3A_656 = arith.constant 480 : index
      %get3A_657 = tpu.vector_load %arg8[%get3A_655, %get3A_656] {strides = array<i32>} : memref<48x512xi32, #tpu.memory_space<vmem>>, vector<1x16xi32>,
      %get3A_658 = vector.shape_cast %get3A_657 : vector<1x16xi32> to vector<16xi32>
      %get3A_659 = arith.index_cast %scan3A_28 : i32 to index
      %get3A_660 = arith.constant 160 : index
      %get3A_661 = tpu.vector_load %arg9[%get3A_659, %get3A_660] {strides = array<i32>} : memref<48x512xf32, #tpu.memory_space<vmem>>, vector<1x16xf32>,
      %get3A_662 = vector.shape_cast %get3A_661 : vector<1x16xf32> to vector<16xf32>
      %get3A_663 = arith.index_cast %scan3A_28 : i32 to index
      %get3A_664 = arith.constant 480 : index
      %get3A_665 = tpu.vector_load %arg7[%get3A_663, %get3A_664] {strides = array<i32>} : memref<48x512xf32, #tpu.memory_space<vmem>>, vector<1x16xf32>,
      %get3A_666 = vector.shape_cast %get3A_665 : vector<1x16xf32> to vector<16xf32>
      %gt3A_667 = arith.constant 0 : i32
      %gt3A_668 = vector.broadcast %gt3A_667 : i32 to vector<16xi32>
      %gt3A_669 = arith.cmpi sgt, %get3A_658, %gt3A_668 : vector<16xi32>
      %select_n3A_670 = arith.select %gt3A_669, %get3A_662, %get3A_666 : vector<16xi1>, vector<16xf32>
      %swap3A_671 = arith.index_cast %scan3A_28 : i32 to index
      %swap3A_672 = arith.constant 480 : index
      %swap3A_673 = tpu.vector_load %arg7[%swap3A_671, %swap3A_672] {strides = array<i32>} : memref<48x512xf32, #tpu.memory_space<vmem>>, vector<1x16xf32>,
      %swap3A_674 = vector.shape_cast %swap3A_673 : vector<1x16xf32> to vector<16xf32>
      %swap3A_675 = vector.shape_cast %select_n3A_670 : vector<16xf32> to vector<1x16xf32>
      tpu.vector_store %arg7[%swap3A_671, %swap3A_672], %swap3A_675 {strides = array<i32>} : memref<48x512xf32, #tpu.memory_space<vmem>>, vector<1x16xf32>,
      %get3A_676 = arith.index_cast %scan3A_28 : i32 to index
      %get3A_677 = arith.constant 496 : index
      %get3A_678 = tpu.vector_load %arg8[%get3A_676, %get3A_677] {strides = array<i32>} : memref<48x512xi32, #tpu.memory_space<vmem>>, vector<1x16xi32>,
      %get3A_679 = vector.shape_cast %get3A_678 : vector<1x16xi32> to vector<16xi32>
      %get3A_680 = arith.index_cast %scan3A_28 : i32 to index
      %get3A_681 = arith.constant 176 : index
      %get3A_682 = tpu.vector_load %arg9[%get3A_680, %get3A_681] {strides = array<i32>} : memref<48x512xf32, #tpu.memory_space<vmem>>, vector<1x16xf32>,
      %get3A_683 = vector.shape_cast %get3A_682 : vector<1x16xf32> to vector<16xf32>
      %get3A_684 = arith.index_cast %scan3A_28 : i32 to index
      %get3A_685 = arith.constant 496 : index
      %get3A_686 = tpu.vector_load %arg7[%get3A_684, %get3A_685] {strides = array<i32>} : memref<48x512xf32, #tpu.memory_space<vmem>>, vector<1x16xf32>,
      %get3A_687 = vector.shape_cast %get3A_686 : vector<1x16xf32> to vector<16xf32>
      %gt3A_688 = arith.constant 0 : i32
      %gt3A_689 = vector.broadcast %gt3A_688 : i32 to vector<16xi32>
      %gt3A_690 = arith.cmpi sgt, %get3A_679, %gt3A_689 : vector<16xi32>
      %select_n3A_691 = arith.select %gt3A_690, %get3A_683, %get3A_687 : vector<16xi1>, vector<16xf32>
      %swap3A_692 = arith.index_cast %scan3A_28 : i32 to index
      %swap3A_693 = arith.constant 496 : index
      %swap3A_694 = tpu.vector_load %arg7[%swap3A_692, %swap3A_693] {strides = array<i32>} : memref<48x512xf32, #tpu.memory_space<vmem>>, vector<1x16xf32>,
      %swap3A_695 = vector.shape_cast %swap3A_694 : vector<1x16xf32> to vector<16xf32>
      %swap3A_696 = vector.shape_cast %select_n3A_691 : vector<16xf32> to vector<1x16xf32>
      tpu.vector_store %arg7[%swap3A_692, %swap3A_693], %swap3A_696 {strides = array<i32>} : memref<48x512xf32, #tpu.memory_space<vmem>>, vector<1x16xf32>,
    }
    %scan3A_27 = arith.constant 48 : i32
    "tpu.region"() ({
      %run_scoped3A = tpu.sem_alloc : memref<!tpu.dma_semaphore, #tpu.memory_space<semaphore_mem>>
      %dma_start3A_28 = arith.constant 0 : i32
      %dma_start3A_29 = tpu.memref_slice %arg5[%mul3A_2, %dma_start3A_28] : memref<1536x512xf32, #tpu.memory_space<hbm>> -> memref<48x512xf32, #tpu.memory_space<hbm>>
      %dma_start3A_30 = arith.constant 0 : i32
      %dma_start3A_31 = tpu.memref_slice %arg5[%mul3A_2, %dma_start3A_30] : memref<1536x512xf32, #tpu.memory_space<hbm>> -> memref<48x512xf32, #tpu.memory_space<hbm>>
      tpu.enqueue_dma source(%arg7 : memref<48x512xf32, #tpu.memory_space<vmem>>) target(%dma_start3A_31 : memref<48x512xf32, #tpu.memory_space<hbm>>) target_semaphore(%run_scoped3A : memref<!tpu.dma_semaphore, #tpu.memory_space<semaphore_mem>>)
      %dma_wait3A_32 = arith.constant 0 : i32
      %dma_wait3A_33 = tpu.memref_slice %arg5[%mul3A_2, %dma_wait3A_32] : memref<1536x512xf32, #tpu.memory_space<hbm>> -> memref<48x512xf32, #tpu.memory_space<hbm>>
      %dma_wait3A_34 = arith.constant 0 : i32
      %dma_wait3A_35 = tpu.memref_slice %arg5[%mul3A_2, %dma_wait3A_34] : memref<1536x512xf32, #tpu.memory_space<hbm>> -> memref<48x512xf32, #tpu.memory_space<hbm>>
      tpu.wait_dma2 semaphore(%run_scoped3A : memref<!tpu.dma_semaphore, #tpu.memory_space<semaphore_mem>>) src(%arg7 : memref<48x512xf32, #tpu.memory_space<vmem>>) dst(%dma_wait3A_35 : memref<48x512xf32, #tpu.memory_space<hbm>>)
      tpu.yield
    }) : () -> ()
    return
  }
}

</mosaic_0001>

<sc_bundles>
// kernel: kernel.3.cloned.1.call-start
scs
__scs_entry_jumppad:
0x0: {  	(pc) =	sbr.rel $0x88, $3  }
0x1: {  	(tag) =	ssettag $0x0;
	lr =	simm.s32 $0x1  }
0x2: {  	[smem:$0x3F9F] =	sst lr;
	_ =	strace $0xD0000000  }
0x3: {  	_ = 	snop  }
0x4: {  	_ = 	snop  }
0x5: {  	_ = 	snop  }
0x6: {  	_ = 	snop  }
0x7: {  	_ = 	snop  }
__scs_overlays_trampoline_lowered:
0x8: {  	[smem:$0x3FAE] =	sst s0  }
0x9: {  	[smem:$0x3FAF] =	sst s1  }
0xa: {  	[smem:$0x3FB0] =	sst s2  }
0xb: {  	[smem:$0x3FB1] =	sst s3  }
0xc: {  	[smem:$0x3FB2] =	sst s4  }
0xd: {  	[smem:$0x3FB3] =	sst s5  }
0xe: {  	[smem:$0x3FB4] =	sst s6  }
0xf: {  	[smem:$0x3FB5] =	sst s7  }
0x10: {  	[smem:$0x3FB6] =	sst s8  }
0x11: {  	[smem:$0x3FB7] =	sst s9;
	s0 =	simm.s32 @!p0 $0x0  }
0x12: {  	s1 =	sld [smem:$0x3F9D];
	s0 =	simm.s32 @p0 $0x1  }
0x13: {  	[smem:$0x3FB8] =	sst s0;
	s0 =	simm.s32 @!p1 $0x0  }
0x14: {  	s2 =	sld [smem:$0x3F9C];
	s0 =	simm.s32 @p1 $0x1  }
0x15: {  	[smem:$0x3FB9] =	sst s0;
	s0 =	simm.s32 @!p2 $0x0  }
0x16: {  	s3 =	sld [smem:$0x3FDB];
	s0 =	simm.s32 @p2 $0x1  }
0x17: {  	s4 =	simm.s32 $0x1BF5;
	[smem:$0x3FBB] =	sst s0  }
0x18: {  	s0 =	sld [smem:$0x3F9E];
	_ =	swait.ge [sflag:s4], $0x0  }
0x19: {  	s7 =	sld [smem:$0x3F9F]  }
0x1a: {  	s8 =	sadd.s32 $0xFFFFE003, lr  }
0x1b: {  	s9 =	sadd.s32 $0xFFFFFEF7, lr;
	s5 =	simm.s32 $0xFFFFFFFF;
	p2 =	slt.u32 s8, $0xFFFFF086  }
0x1c: {  	p1 =	slt.u32 s9, $0xF7A;
	s5 =	simm.s32 @!p2 $0x0  }
0x1d: {  	s5 =	simm.s32 @p1 $0x1;
	p0 =	seq.s32 s7, s2  }
0x1e: {  	s7 =	smul.u32 @!p0 $0xF7A, s2;
	p2 =	seq.s32 @!p0 s5, $0x0  }
0x1f: {  	s9 =	smul.u32 $0xF7A, s1;
	s8 =	simm.s32 @!p0 $0x1BF5;
	p2 =	por !p2, p0  }
0x20: {  	[sflag:s8] =	ssyncset.s32 @!p0 $0xFFFFF086;
	s6 =	sadd.s32 @!p0 s3, s7;
	s7 =	simm.s32 @!p0 $0x108  }
0x21: {  	s3 =	sadd.s32 s3, s9;
	s6 =	sadd.s32 @!p0 $0x88, s6;
	s7 =	simm.s32 @p2 $0x1082  }
0x22: {  	[simem:s7], [sflag:s8] =	dma.local @!p0 [hbm:s6], $0xF7A  }
0x23: {  	s9 =	sor.u32 $0xD0000000, s2;
	s6 =	simm.s32 $0x108;
	_ =	swait.ge @!p0 [sflag:s8], $0x0  }
0x24: {  	s3 =	sadd.s32 $0x88, s3;
	s6 =	simm.s32 @!p1 $0x1082;
	[sflag:s4] =	ssyncset.s32 $0xFFFFF086  }
0x25: {  	[simem:s6], [sflag:s4] =	dma.local [hbm:s3], $0xF7A  }
0x26: {  	[smem:$0x3F9F] =	sst s1;
	(tag) =	ssettag s2;
	_ =	strace s9  }
0x27: {  	s1 =	sld [smem:$0x3FAF]  }
0x28: {  	s2 =	sld [smem:$0x3FB0]  }
0x29: {  	s4 =	sld [smem:$0x3FB2]  }
0x2a: {  	p0 =	seq.s32 s5, $0x0;
	s5 =	sld [smem:$0x3FB3]  }
0x2b: {  	s6 =	sld [smem:$0x3FB4]  }
0x2c: {  	s7 =	sld [smem:$0x3FB5]  }
0x2d: {  	s3 =	simm.s32 $0x108;
	s8 =	sld [smem:$0x3FB6]  }
0x2e: {  	s3 =	simm.s32 @!p0 $0x1082;
	s9 =	sld [smem:$0x3FB7]  }
0x2f: {  	lr =	sadd.s32 s0, s3;
	s0 =	sld [smem:$0x3FAE]  }
0x30: {  	s3 =	sld [smem:$0x3FB1]  }
0x31: {  	[smem:$0x3FBA] =	sst s10  }
0x32: {  	s10 =	sld [smem:$0x3FB8];
	_ =	sdelay $0x3  }
0x33: {  	p0 =	seq.s32 s10, $0x1;
	s10 =	sld [smem:$0x3FBA];
	_ =	sdelay $0x3  }
0x34: {  	[smem:$0x3FBA] =	sst s10  }
0x35: {  	s10 =	sld [smem:$0x3FB9];
	_ =	sdelay $0x3  }
0x36: {  	p1 =	seq.s32 s10, $0x1;
	s10 =	sld [smem:$0x3FBA];
	_ =	sdelay $0x3  }
0x37: {  	[smem:$0x3FBA] =	sst s10  }
0x38: {  	s10 =	sld [smem:$0x3FBB]  }
0x39: {  	_ = 	snop;
	(pc) =	sbr.ind lr, $3  }
0x3a: {  	_ = 	snop  }
0x3b: {  	_ = 	snop  }
0x3c: {  	p2 =	seq.s32 s10, $0x1;
	s10 =	sld [smem:$0x3FBA]  }
0x3d: {  	_ =	shalt  }
0x3e: {  	_ =	shalt  }
0x3f: {  	_ =	shalt  }
0x40: {  	_ =	shalt  }
0x41: {  	_ =	shalt  }
0x42: {  	_ =	shalt  }
0x43: {  	_ =	shalt  }
0x44: {  	_ =	shalt  }
0x45: {  	_ =	shalt  }
0x46: {  	_ =	shalt  }
0x47: {  	_ =	shalt  }
0x48: {  	_ =	shalt  }
0x49: {  	_ =	shalt  }
0x4a: {  	_ =	shalt  }
0x4b: {  	_ =	shalt  }
0x4c: {  	_ =	shalt  }
0x4d: {  	_ =	shalt  }
0x4e: {  	_ =	shalt  }
0x4f: {  	_ =	shalt  }
0x50: {  	_ =	shalt  }
0x51: {  	_ =	shalt  }
0x52: {  	_ =	shalt  }
0x53: {  	_ =	shalt  }
0x54: {  	_ =	shalt  }
0x55: {  	_ =	shalt  }
0x56: {  	_ =	shalt  }
0x57: {  	_ =	shalt  }
0x58: {  	_ =	shalt  }
0x59: {  	_ =	shalt  }
0x5a: {  	_ =	shalt  }
0x5b: {  	_ =	shalt  }
0x5c: {  	_ =	shalt  }
0x5d: {  	_ =	shalt  }
0x5e: {  	_ =	shalt  }
0x5f: {  	_ =	shalt  }
0x60: {  	_ =	shalt  }
0x61: {  	_ =	shalt  }
0x62: {  	_ =	shalt  }
0x63: {  	_ =	shalt  }
0x64: {  	_ =	shalt  }
0x65: {  	_ =	shalt  }
0x66: {  	_ =	shalt  }
0x67: {  	_ =	shalt  }
0x68: {  	_ =	shalt  }
0x69: {  	_ =	shalt  }
0x6a: {  	_ =	shalt  }
0x6b: {  	_ =	shalt  }
0x6c: {  	_ =	shalt  }
0x6d: {  	_ =	shalt  }
0x6e: {  	_ =	shalt  }
0x6f: {  	_ =	shalt  }
0x70: {  	_ =	shalt  }
0x71: {  	_ =	shalt  }
0x72: {  	_ =	shalt  }
0x73: {  	_ =	shalt  }
0x74: {  	_ =	shalt  }
0x75: {  	_ =	shalt  }
0x76: {  	_ =	shalt  }
0x77: {  	_ =	shalt  }
0x78: {  	_ =	shalt  }
0x79: {  	_ =	shalt  }
0x7a: {  	_ =	shalt  }
0x7b: {  	_ =	shalt  }
0x7c: {  	_ =	shalt  }
0x7d: {  	_ =	shalt  }
0x7e: {  	_ =	shalt  }
0x7f: {  	_ =	shalt  }
0x80: {  	_ =	shalt  }
0x81: {  	_ =	shalt  }
0x82: {  	_ =	shalt  }
0x83: {  	_ =	shalt  }
0x84: {  	_ =	shalt  }
0x85: {  	_ =	shalt  }
0x86: {  	_ =	shalt  }
0x87: {  	_ =	shalt  }
.Lfunc_end0:
.L_simem_size_0:
called_computation_lowered:
.L_overlay_start_0:
0x88: {  	s2 =	sld [smem:$0x3FD9]  }
0x89: {  	s3 =	sld [smem:$0x3FFE];
	_ =	sdelay $0x1  }
0x8a: {  	s1 =	srdreg.scid  }
0x8b: {  	s0 =	sand.u32 $0x1, s1  }
0x8c: {  	s17 =	sshll.u32 s0, $0xA;
	s2 =	sadd.s32 s3, s2  }
0x8d: {  	s2 =	sadd.s32 s2, s17  }
0x8e: {  	[smem:$0x3FC6] =	sst s2  }
0x8f: {  	_ = 	snop  }
0x90: {  	s2 =	sld [smem:$0x3FC9]  }
0x91: {  	s18 =	sld [smem:$0x3FC8]  }
0x92: {  	s4 =	sld [smem:$0x3FD0];
	(tm) =	ssettm $0x1  }
0x93: {  	s5 =	sld [smem:$0x3FFB];
	_ =	sdelay $0x3  }
0x94: {  	_ =	strace s5  }
0x95: {  	s5 =	sld [smem:$0x3FFC];
	_ =	sdelay $0x3  }
0x96: {  	_ =	strace s5  }
0x97: {  	s5 =	sld [smem:$0x3FFD];
	_ =	sdelay $0x3  }
0x98: {  	_ =	strace s5  }
0x99: {  	_ =	strace $0x8FFFFFFF  }
0x9a: {  	s19 =	sld [smem:$0x3FDB];
	_ =	sdelay $0x1  }
0x9b: {  	s6 =	simm.s32 $_scs_section_size  }
0x9c: {  	s7 =	simm.s32 $_size__tile_overlayer_lowered;
	s8 =	simm.s32 $_tile_overlayer_lowered  }
0x9d: {  	s22 =	simm.s32 $0x1BFF;
	s21 =	sshll.u32 s8, $0x1;
	s5 =	sadd.s32 s6, s19  }
0x9e: {  	s9 =	simm.s32 $0x0;
	s20 =	sshll.u32 s7, $0x1;
	s7 =	sadd.s32 s21, s5  }
0x9f: {  	[timem:s9], [sflag:s22] =	dma.local [hbm:s7], s20  }
0xa0: {  	_ =	swait.ge [sflag:s22], s20  }
0xa1: {  	s6 =	ssub.s32 $0x0, s20;
	[sflag:s22] =	ssyncset.done $0x0  }
0xa2: {  	[sflag:s22] =	ssyncadd.s32 s6;
	_ =	sdelay $0x1  }
0xa3: {  	s23 =	simm.s32 $0x1B8B  }
0xa4: {  	_ =	swait.ge [sflag:s23], $0x1  }
0xa5: {  	[sflag:s23] =	ssyncset.done $0x0  }
0xa6: {  	s25 =	simm.s32 $0x1B8E;
	s24 =	sld [smem:$0x3FFE];
	[sflag:s23] =	ssyncadd.s32 $0xFFFFFFFF  }
0xa7: {  	s26 =	simm.s32 $execute0_lowered;
	[smem:$0x3FD2] =	sst s25  }
0xa8: {  	s7 =	sshll.u32 s26, $0x1;
	_ =	strace $0x80000046;
	[dreg:$0x1] =	wrdreg $0xFFFFFFFF  }
0xa9: {  	s28 =	simm.s32 $_size_execute0_lowered;
	s5 =	sadd.s32 s5, s7;
	[dreg:$0x0] =	wrdreg $0x0  }
0xaa: {  	s7 =	sshll.u32 s28, $0x1;
	[dreg:$0x2] =	wrdreg s5  }
0xab: {  	[dreg:$0x3] =	wrdreg s7  }
0xac: {  	[dreg:$0x4] =	wrdreg $0xC0  }
0xad: {  	_ =	task [dreg:s9], $0x5FFFF  }
0xae: {  	[dreg:$0x1] =	wrdreg $0xFFFFFFFF  }
0xaf: {  	[dreg:$0x0] =	wrdreg $0x60  }
0xb0: {  	[dreg:$0x2] =	wrdreg s2  }
0xb1: {  	[dreg:$0x3] =	wrdreg s18  }
0xb2: {  	[dreg:$0x4] =	wrdreg s24  }
0xb3: {  	[dreg:$0x5] =	wrdreg s4  }
0xb4: {  	[dreg:$0x6] =	wrdreg $0x9  }
0xb5: {  	_ =	task.clear_ibuf [dreg:s9], $0x7FFFF;
	_ =	strace $0x90000046  }
0xb6: {  	s29 =	simm.s32 $0x9;
	_ =	strace $0x80000048  }
0xb7: {  	_ =	swait.ge [sflag:s29], $0x1  }
0xb8: {  	[sflag:s29] =	ssyncadd.s32 $0xFFFFFFFF  }
0xb9: {  	_ =	strace $0x90000048  }
0xba: {  	_ =	sfence  }
0xbb: {  	s30 =	sld [smem:$0x0];
	_ =	sdelay $0x2  }
0xbc: {  	s31 =	sshll.u32 s1, $0xD;
	s1 =	sshrl.u32 s1, $0x2  }
0xbd: {  	s3 =	sand.u32 $0x4000, s31;
	s1 =	sadd.s32 s1, s30  }
0xbe: {  	s0 =	sor.u32 s3, s0;
	s1 =	sshll.u32 s1, $0x11  }
0xbf: {  	s0 =	sor.u32 s1, s0  }
0xc0: {  	s0 =	sadd.s32 $0x8F2B, s0  }
0xc1: {  	[sflag:s0] =	ssyncadd.remote.s32 $0x1  }
0xc2: {  	_ =	sfence.sel $0xFFFF  }
0xc3: {  	[dreg:$0x0] =	wrdreg $0xFFFFFFFF;
	(pc) =	sbr.abs _section_cstart, $3  }
0xc4: {  	[dreg:$0x1] =	wrdreg $0xFFFFFFFF  }
0xc5: {  	_ =	task.clear_ibuf [dreg:s9], $0x2FFFF;
	_ =	strace $0x9FFFFFFF  }
0xc6: {  	(tm) =	ssettm $0x7FFFFFFF  }
0xc7: {  	_ =	shalt  }
tec
execute0_lowered:
.L_overlay_start_1:
0x0: {  	(tag) =	ssettag $0x1  }
0x1: {  	s1 =	rddreg [dreg:$0x0]  }
0x2: {  	s2 =	rddreg [dreg:$0x1]  }
0x3: {  	s3 =	srdreg.scid;
	s4 =	rddreg [dreg:$0x2]  }
0x4: {  	s0 =	stileid.u32;
	s8 =	rddreg [dreg:$0x3]  }
0x5: {  	s11 =	simm.s32 $0x80;
	s13 =	simm.s32 $0xC080;
	s14 =	simm.s32 $0xC880  }
0x6: {  	s15 =	simm.s32 $0xD080;
	s16 =	simm.s32 $0xD880;
	s17 =	simm.s32 $0xE080  }
0x7: {  	s18 =	simm.s32 $0xE880;
	s19 =	simm.s32 $0xF080;
	s20 =	simm.s32 $0xF880  }
0x8: {  	s21 =	simm.s32 $0x10080;
	s22 =	simm.s32 $0x10880;
	s23 =	simm.s32 $0x11080  }
0x9: {  	s24 =	simm.s32 $0x11880;
	s5 =	sand.u32 $0x1, s3;
	s30 =	sshll.u32 s0, $0x1  }
0xa: {  	s25 =	simm.s32 $0x1;
	s26 =	simm.s32 $0x2;
	s6 =	sor.u32 s5, s30  }
0xb: {  	s28 =	simm.s32 $0x3;
	s3 =	simm.s32 $0x0;
	s7 =	smul.u32 $0x6, s6  }
0xc: {  	v2 =	vlaneseq.u32;
	[smem:$0x7FF] =	sst s3;
	s5 =	ssub.s32 $0x2, s5;
	s9 =	smul.u32 $0xC00, s6  }
0xd: {  	s29 =	simm.s32 $0x0;
	v0 =	vand.u32 $0x7, v2;
	v1 =	vshrl.u32 v2, $0x3;
	s31 =	sshrl.u32 s5, $0x1;
	_ =	strace $0x80000047  }
0xe: {  	v63 =	vor.u32 $0x8, v2;
	v62 =	vmul.u32 $0x8, v1;
	[tilespmem:$0x1FFD0] =	vst v0;
	s10 =	ssub.s32 s5, s31;
	s4 =	sadd.s32 s7, s4;
	s5 =	sadd.s32 s1, s9  }
0xf: {  	[tilespmem:$0x1FFF0] =	vst v63;
	s6 =	sadd.s32 s2, s9;
	s7 =	sadd.s32 $0x100, s1;
	s8 =	sadd.s32 s8, s9  }
0x10: {  	vm0 =	vmmov $0xffff;
	[tilespmem:$0x1FFE0] =	vst v62;
	s9 =	smax.u32 s10, $0x1;
	s10 =	simm.s32 $0x4;
	s4 =	sadd.s32 $0x400, s4  }
.LBB2_1:
0x11: {  	[tilespmem:s3], [sflag:$0x4] =	stream.linear.gather [hbm4b:s4+s3], $0x30, $0x38;
	[tilespmem:$0x12080] =	vst v63  }
0x12: {  	_ =	swait.ge [sflag:s10], $0x30  }
0x13: {  	[sflag:s10] =	ssyncset.done $0x0  }
0x14: {  	[sflag:s10] =	ssyncadd.s32 $0xFFFFFFD0  }
0x15: {  	[tilespmem:s11], [sflag:$0x1] =	stream.linear.gather [hbm4b:s5+s3], $0x6000, $0x38;
	[tilespmem:$0x12080] =	vst v63  }
0x16: {  	s0 =	simm.s32 $0x6080  }
0x17: {  	[tilespmem:s0], [sflag:$0x2] =	stream.linear.gather [hbm4b:s6+s3], $0x6000, $0x38;
	[tilespmem:$0x12080] =	vst v63  }
0x18: {  	v3 =	vld [tilespmem:$0x0];
	_ =	sdelay $0x2  }
0x19: {  	v0 =	vld [tilespmem:$0x1FFD0];
	_ =	sdelay $0x1  }
0x1a: {  	v1 =	vld [tilespmem:$0x1FFE0];
	v4 =	vshll.u32 v3, $0x2  }
0x1b: {  	v3 =	vand.u32 $0x7, v3;
	v4 =	vand.u32 $0xFFFFFFE0, v4  }
0x1c: {  	v2 =	vld [tilespmem:$0x1FFF0];
	v3 =	vor.u32 v3, v4  }
0x1d: {  	v4 =	vperm.xlane v3, v0;
	_ =	sdelay $0x1  }
0x1e: {  	v4 =	vadd.s32 v1, v4;
	_ =	sdelay $0x1  }
0x1f: {  	v3 =	vperm.xlane v3, v2;
	_ =	sdelay $0x1  }
0x20: {  	v3 =	vadd.s32 v1, v3  }
0x21: {  	[tilespmem:s13], [sflag:$0x3] =	stream.indirect_vreg.gather [hbm4b:s1+s3], $0x80, v4, vm0, $0xb8;
	[tilespmem:$0x12080] =	vst v63  }
0x22: {  	_ = 	snop  }
0x23: {  	[tilespmem:s14], [sflag:$0x3] =	stream.indirect_vreg.gather [hbm4b:s7+s3], $0x80, v4, vm0, $0xb8;
	[tilespmem:$0x12080] =	vst v63  }
0x24: {  	_ = 	snop  }
0x25: {  	[tilespmem:s15], [sflag:$0x3] =	stream.indirect_vreg.gather [hbm4b:s1+s3], $0x80, v3, vm0, $0xb8;
	[tilespmem:$0x12080] =	vst v63  }
0x26: {  	_ = 	snop  }
0x27: {  	[tilespmem:s16], [sflag:$0x3] =	stream.indirect_vreg.gather [hbm4b:s7+s3], $0x80, v3, vm0, $0xb8;
	[tilespmem:$0x12080] =	vst v63  }
0x28: {  	v3 =	vld [tilespmem:$0x10];
	_ =	sdelay $0x4  }
0x29: {  	v4 =	vshll.u32 v3, $0x2  }
0x2a: {  	v3 =	vand.u32 $0x7, v3;
	v4 =	vand.u32 $0xFFFFFFE0, v4  }
0x2b: {  	v3 =	vor.u32 v3, v4  }
0x2c: {  	v4 =	vperm.xlane v3, v0;
	_ =	sdelay $0x1  }
0x2d: {  	v4 =	vadd.s32 v1, v4;
	_ =	sdelay $0x1  }
0x2e: {  	v3 =	vperm.xlane v3, v2;
	_ =	sdelay $0x1  }
0x2f: {  	v3 =	vadd.s32 v1, v3  }
0x30: {  	[tilespmem:s17], [sflag:$0x3] =	stream.indirect_vreg.gather [hbm4b:s1+s3], $0x80, v4, vm0, $0xb8;
	[tilespmem:$0x12080] =	vst v63  }
0x31: {  	_ = 	snop  }
0x32: {  	[tilespmem:s18], [sflag:$0x3] =	stream.indirect_vreg.gather [hbm4b:s7+s3], $0x80, v4, vm0, $0xb8;
	[tilespmem:$0x12080] =	vst v63  }
0x33: {  	_ = 	snop  }
0x34: {  	[tilespmem:s19], [sflag:$0x3] =	stream.indirect_vreg.gather [hbm4b:s1+s3], $0x80, v3, vm0, $0xb8;
	[tilespmem:$0x12080] =	vst v63  }
0x35: {  	_ = 	snop  }
0x36: {  	[tilespmem:s20], [sflag:$0x3] =	stream.indirect_vreg.gather [hbm4b:s7+s3], $0x80, v3, vm0, $0xb8;
	[tilespmem:$0x12080] =	vst v63  }
0x37: {  	v3 =	vld [tilespmem:$0x20];
	_ =	sdelay $0x4  }
0x38: {  	v4 =	vshll.u32 v3, $0x2  }
0x39: {  	v3 =	vand.u32 $0x7, v3;
	v4 =	vand.u32 $0xFFFFFFE0, v4  }
0x3a: {  	v3 =	vor.u32 v3, v4  }
0x3b: {  	v4 =	vperm.xlane v3, v0;
	_ =	sdelay $0x1  }
0x3c: {  	v4 =	vadd.s32 v1, v4;
	_ =	sdelay $0x1  }
0x3d: {  	v3 =	vperm.xlane v3, v2;
	_ =	sdelay $0x1  }
0x3e: {  	v3 =	vadd.s32 v1, v3  }
0x3f: {  	[tilespmem:s21], [sflag:$0x3] =	stream.indirect_vreg.gather [hbm4b:s1+s3], $0x80, v4, vm0, $0xb8;
	[tilespmem:$0x12080] =	vst v63  }
0x40: {  	_ = 	snop  }
0x41: {  	[tilespmem:s22], [sflag:$0x3] =	stream.indirect_vreg.gather [hbm4b:s7+s3], $0x80, v4, vm0, $0xb8;
	[tilespmem:$0x12080] =	vst v63  }
0x42: {  	_ = 	snop  }
0x43: {  	[tilespmem:s23], [sflag:$0x3] =	stream.indirect_vreg.gather [hbm4b:s1+s3], $0x80, v3, vm0, $0xb8;
	[tilespmem:$0x12080] =	vst v63  }
0x44: {  	_ = 	snop  }
0x45: {  	[tilespmem:s24], [sflag:$0x3] =	stream.indirect_vreg.gather [hbm4b:s7+s3], $0x80, v3, vm0, $0xb8;
	[tilespmem:$0x12080] =	vst v63  }
0x46: {  	_ =	swait.ge [sflag:s25], $0x6000  }
0x47: {  	[sflag:s25] =	ssyncset.done $0x0  }
0x48: {  	[sflag:s25] =	ssyncadd.s32 $0xFFFFA000  }
0x49: {  	_ =	swait.ge [sflag:s26], $0x6000  }
0x4a: {  	[sflag:s26] =	ssyncset.done $0x0  }
0x4b: {  	[sflag:s26] =	ssyncadd.s32 $0xFFFFA000  }
0x4c: {  	_ =	swait.ge [sflag:s28], $0x6000  }
0x4d: {  	s2 =	sand.u32 $0x7000, s3;
	s30 =	sand.u32 $0x380, s3;
	[sflag:s28] =	ssyncset.done $0x0  }
0x4e: {  	s30 =	sor.u32 s30, s2;
	[sflag:s28] =	ssyncadd.s32 $0xFFFFA000  }
0x4f: {  	v22 =	vld [tilespmem:s30+$0xC4C0]  }
0x50: {  	v23 =	vld [tilespmem:s30+$0xC4D0]  }
0x51: {  	v3 =	vld [tilespmem:s30+$0xC4E0]  }
0x52: {  	v4 =	vld [tilespmem:s30+$0xC4F0]  }
0x53: {  	v6 =	vld [tilespmem:s30+$0xC880]  }
0x54: {  	v7 =	vld [tilespmem:s30+$0xC890]  }
0x55: {  	v28 =	vld [tilespmem:s30+$0xC8A0]  }
0x56: {  	v29 =	vld [tilespmem:s30+$0xC8B0]  }
0x57: {  	v30 =	vld [tilespmem:s30+$0xC8C0]  }
0x58: {  	v31 =	vld [tilespmem:s30+$0xC8D0]  }
0x59: {  	v32 =	vld [tilespmem:s30+$0xC8E0]  }
0x5a: {  	v33 =	vld [tilespmem:s30+$0xC8F0]  }
0x5b: {  	v20 =	vld [tilespmem:s30+$0xCC80]  }
0x5c: {  	v21 =	vld [tilespmem:s30+$0xCC90]  }
0x5d: {  	v36 =	vld [tilespmem:s30+$0xCCA0]  }
0x5e: {  	v37 =	vld [tilespmem:s30+$0xCCB0]  }
0x5f: {  	v38 =	vld [tilespmem:s30+$0xCCC0]  }
0x60: {  	v39 =	vld [tilespmem:s30+$0xCCD0]  }
0x61: {  	v40 =	vld [tilespmem:s30+$0xCCE0]  }
0x62: {  	v41 =	vld [tilespmem:s30+$0xCCF0]  }
0x63: {  	v63 =	vld [tilespmem:s30+$0xC080]  }
0x64: {  	v34 =	vld [tilespmem:s30+$0xC090]  }
0x65: {  	v35 =	vld [tilespmem:s30+$0xC0A0]  }
0x66: {  	v42 =	vld [tilespmem:s30+$0xC0B0]  }
0x67: {  	v10 =	vld [tilespmem:s30+$0xC0C0]  }
0x68: {  	v9 =	vld [tilespmem:s30+$0xC0D0]  }
0x69: {  	v8 =	vld [tilespmem:s30+$0xC0E0]  }
0x6a: {  	v27 =	vld [tilespmem:s30+$0xC0F0]  }
0x6b: {  	v26 =	vld [tilespmem:s30+$0xC480]  }
0x6c: {  	v25 =	vld [tilespmem:s30+$0xC490]  }
0x6d: {  	v5 =	vld [tilespmem:s30+$0xC4A0]  }
0x6e: {  	v24 =	vld [tilespmem:s30+$0xC4B0]  }
0x6f: {  	v43 =	vld [tilespmem:s30+$0x6090]  }
0x70: {  	v44 =	vld [tilespmem:s30+$0x60A0]  }
0x71: {  	v45 =	vld [tilespmem:s30+$0x60B0]  }
0x72: {  	v46 =	vld [tilespmem:s30+$0x60C0]  }
0x73: {  	v47 =	vld [tilespmem:s30+$0x60D0]  }
0x74: {  	v48 =	vld [tilespmem:s30+$0x60E0]  }
0x75: {  	v49 =	vld [tilespmem:s30+$0x60F0]  }
0x76: {  	v50 =	vld [tilespmem:s30+$0x6480]  }
0x77: {  	v51 =	vld [tilespmem:s30+$0x6490]  }
0x78: {  	v52 =	vld [tilespmem:s30+$0x64A0]  }
0x79: {  	v53 =	vld [tilespmem:s30+$0x64B0]  }
0x7a: {  	v54 =	vld [tilespmem:s30+$0x64C0]  }
0x7b: {  	v55 =	vld [tilespmem:s30+$0x64D0]  }
0x7c: {  	v56 =	vld [tilespmem:s30+$0x64E0]  }
0x7d: {  	v57 =	vld [tilespmem:s30+$0x64F0]  }
0x7e: {  	v58 =	vld [tilespmem:s30+$0x6880]  }
0x7f: {  	v59 =	vld [tilespmem:s30+$0x6890]  }
0x80: {  	v60 =	vld [tilespmem:s30+$0x68A0]  }
0x81: {  	v61 =	vld [tilespmem:s30+$0x68B0]  }
0x82: {  	v62 =	vld [tilespmem:s30+$0x68C0]  }
0x83: {  	v19 =	vld [tilespmem:s30+$0x68E0]  }
0x84: {  	v17 =	vld [tilespmem:s30+$0x6C90]  }
0x85: {  	v16 =	vld [tilespmem:s30+$0x6CA0]  }
0x86: {  	v15 =	vld [tilespmem:s30+$0x6CB0]  }
0x87: {  	v14 =	vld [tilespmem:s30+$0x6CC0]  }
0x88: {  	v13 =	vld [tilespmem:s30+$0x6CD0]  }
0x89: {  	v12 =	vld [tilespmem:s30+$0x6CE0]  }
0x8a: {  	v11 =	vld [tilespmem:s30+$0x6CF0]  }
0x8b: {  	v0 =	vld [tilespmem:s30+$0x80]  }
0x8c: {  	v1 =	vld [tilespmem:s30+$0x90]  }
0x8d: {  	v2 =	vld [tilespmem:s30+$0xA0]  }
0x8e: {  	[tilespmem:$0x1FFC0] =	vst v42;
	v42 =	vld [tilespmem:s30+$0x6080]  }
0x8f: {  	v18 =	vld [tilespmem:s30+$0xB0]  }
0x90: {  	[tilespmem:$0x1FF90] =	vst v63;
	v63 =	vld [tilespmem:s30+$0x68D0]  }
0x91: {  	[tilespmem:$0x1FFA0] =	vst v34;
	v34 =	vld [tilespmem:s30+$0x68F0]  }
0x92: {  	[tilespmem:$0x1FFB0] =	vst v35;
	v35 =	vld [tilespmem:s30+$0x6C80]  }
0x93: {  	vm1 =	vgt.s32 v42, $0x0;
	v42 =	vld [tilespmem:s30+$0xC0]  }
0x94: {  	v0 =	vsel vm1, v22, v0;
	vm1 =	vgt.s32 v43, $0x0;
	v22 =	vld [tilespmem:s30+$0xD0]  }
0x95: {  	v43 =	vsel vm1, v23, v1;
	vm1 =	vgt.s32 v44, $0x0;
	v1 =	vld [tilespmem:s30+$0xE0]  }
0x96: {  	v44 =	vld [tilespmem:s30+$0xF0];
	[tilespmem:s30+$0x90] =	vst v43;
	v43 =	vsel vm1, v3, v2;
	vm1 =	vgt.s32 v45, $0x0  }
0x97: {  	v45 =	vsel vm1, v4, v18;
	vm1 =	vgt.s32 v46, $0x0;
	v18 =	vld [tilespmem:s30+$0x480]  }
0x98: {  	v23 =	vld [tilespmem:s30+$0x490];
	v46 =	vsel vm1, v6, v42;
	vm1 =	vgt.s32 v47, $0x0  }
0x99: {  	v47 =	vsel vm1, v7, v22;
	vm1 =	vgt.s32 v48, $0x0;
	v22 =	vld [tilespmem:s30+$0x4A0]  }
0x9a: {  	[tilespmem:s30+$0x80] =	vst v0;
	v48 =	vsel vm1, v28, v1;
	vm1 =	vgt.s32 v49, $0x0;
	v49 =	vld [tilespmem:s30+$0x4B0]  }
0x9b: {  	[tilespmem:s30+$0xA0] =	vst v43;
	v43 =	vld [tilespmem:s30+$0x4C0];
	v42 =	vsel vm1, v29, v44;
	vm1 =	vgt.s32 v50, $0x0  }
0x9c: {  	[tilespmem:s30+$0xB0] =	vst v45;
	v44 =	vsel vm1, v30, v18;
	vm1 =	vgt.s32 v51, $0x0;
	v18 =	vld [tilespmem:s30+$0x4D0]  }
0x9d: {  	[tilespmem:s30+$0xC0] =	vst v46;
	v45 =	vsel vm1, v31, v23;
	vm1 =	vgt.s32 v52, $0x0;
	v23 =	vld [tilespmem:s30+$0x4E0]  }
0x9e: {  	[tilespmem:s30+$0xD0] =	vst v47;
	v46 =	vsel vm1, v32, v22;
	vm1 =	vgt.s32 v53, $0x0;
	v22 =	vld [tilespmem:s30+$0x4F0]  }
0x9f: {  	[tilespmem:s30+$0xE0] =	vst v48;
	v48 =	vld [tilespmem:s30+$0x880];
	v47 =	vsel vm1, v33, v49;
	vm1 =	vgt.s32 v54, $0x0  }
0xa0: {  	v50 =	vld [tilespmem:s30+$0x890];
	[tilespmem:s30+$0xF0] =	vst v42;
	v49 =	vsel vm1, v20, v43;
	vm1 =	vgt.s32 v55, $0x0  }
0xa1: {  	[tilespmem:s30+$0x480] =	vst v44;
	v20 =	vld [tilespmem:s30+$0x8B0];
	v51 =	vsel vm1, v21, v18;
	vm1 =	vgt.s32 v56, $0x0  }
0xa2: {  	[tilespmem:s30+$0x490] =	vst v45;
	v18 =	vld [tilespmem:s30+$0x8A0];
	v52 =	vsel vm1, v36, v23;
	vm1 =	vgt.s32 v57, $0x0  }
0xa3: {  	[tilespmem:s30+$0x4A0] =	vst v46;
	v55 =	vld [tilespmem:s30+$0x8D0];
	v53 =	vsel vm1, v37, v22;
	vm1 =	vgt.s32 v58, $0x0  }
0xa4: {  	[tilespmem:s30+$0x4B0] =	vst v47;
	v21 =	vld [tilespmem:s30+$0x8C0];
	v54 =	vsel vm1, v38, v48;
	vm1 =	vgt.s32 v59, $0x0  }
0xa5: {  	[tilespmem:s30+$0x4C0] =	vst v49;
	v56 =	vsel vm1, v39, v50;
	vm1 =	vgt.s32 v60, $0x0;
	v60 =	vld [tilespmem:$0x1FF90]  }
0xa6: {  	[tilespmem:s30+$0x4D0] =	vst v51;
	v57 =	vld [tilespmem:s30+$0x8E0]  }
0xa7: {  	[tilespmem:s30+$0x4E0] =	vst v52;
	v58 =	vsel vm1, v40, v18;
	v18 =	vld [tilespmem:s30+$0x8F0]  }
0xa8: {  	[tilespmem:s30+$0x4F0] =	vst v53;
	vm1 =	vgt.s32 v61, $0x0;
	v61 =	vld [tilespmem:$0x1FFA0]  }
0xa9: {  	[tilespmem:s30+$0x880] =	vst v54;
	v59 =	vsel vm1, v41, v20;
	vm1 =	vgt.s32 v62, $0x0;
	v62 =	vld [tilespmem:$0x1FFB0]  }
0xaa: {  	[tilespmem:s30+$0x890] =	vst v56;
	v0 =	vsel vm1, v60, v21;
	vm1 =	vgt.s32 v63, $0x0;
	v63 =	vld [tilespmem:$0x1FFC0]  }
0xab: {  	v22 =	vld [tilespmem:s30+$0xC80];
	[tilespmem:s30+$0x8A0] =	vst v58  }
0xac: {  	v20 =	vld [tilespmem:s30+$0xCA0];
	[tilespmem:s30+$0x8B0] =	vst v59  }
0xad: {  	v21 =	vld [tilespmem:s30+$0xC90];
	[tilespmem:s30+$0x8C0] =	vst v0;
	v0 =	vsel vm1, v61, v55;
	vm1 =	vgt.s32 v19, $0x0  }
0xae: {  	v19 =	vld [tilespmem:s30+$0xCB0];
	[tilespmem:s30+$0x8D0] =	vst v0;
	v0 =	vsel vm1, v62, v57;
	vm1 =	vgt.s32 v34, $0x0  }
0xaf: {  	s31 =	simm.s32 $0x200;
	s2 =	simm.s32 $0x0;
	[tilespmem:s30+$0x8E0] =	vst v0;
	v23 =	vsel vm1, v63, v18;
	vm1 =	vgt.s32 v35, $0x0;
	v18 =	vld [tilespmem:s30+$0xCC0]  }
.LBB2_2:
0xb0: {  	_ =	sdelay $0x2  }
0xb1: {  	[tilespmem:s30+$0x8F0] =	vst v23;
	v1 =	vld [tilespmem:s30+$0xCD0];
	s2 =	sadd.s32 $0x80, s2;
	v0 =	vsel vm1, v10, v22;
	vm1 =	vgt.s32 v17, $0x0  }
0xb2: {  	s0 =	sand.u32 $0x7000, s31;
	v2 =	vld [tilespmem:s30+$0xCE0];
	s12 =	sand.u32 $0x380, s2;
	[tilespmem:s30+$0xC80] =	vst v0;
	v54 =	vsel vm1, v9, v21;
	vm1 =	vgt.s32 v16, $0x0  }
0xb3: {  	s0 =	sor.u32 s12, s0;
	[tilespmem:s30+$0xC90] =	vst v54;
	v55 =	vsel vm1, v8, v20;
	vm1 =	vgt.s32 v15, $0x0;
	v8 =	vld [tilespmem:s30+$0xCF0]  }
0xb4: {  	v37 =	vld [tilespmem:s0+$0xC4C0];
	[tilespmem:s30+$0xCA0] =	vst v55;
	v56 =	vsel vm1, v27, v19;
	vm1 =	vgt.s32 v14, $0x0  }
0xb5: {  	v38 =	vld [tilespmem:s0+$0xC4D0];
	[tilespmem:s30+$0xCB0] =	vst v56;
	v57 =	vsel vm1, v26, v18;
	vm1 =	vgt.s32 v13, $0x0  }
0xb6: {  	v39 =	vld [tilespmem:s0+$0xC4E0];
	[tilespmem:s30+$0xCC0] =	vst v57;
	v58 =	vsel vm1, v25, v1;
	vm1 =	vgt.s32 v12, $0x0  }
0xb7: {  	v40 =	vld [tilespmem:s0+$0xC4F0];
	[tilespmem:s30+$0xCD0] =	vst v58;
	v59 =	vsel vm1, v5, v2;
	vm1 =	vgt.s32 v11, $0x0  }
0xb8: {  	v41 =	vld [tilespmem:s0+$0xC880];
	[tilespmem:s30+$0xCE0] =	vst v59;
	v60 =	vsel vm1, v24, v8  }
0xb9: {  	v36 =	vld [tilespmem:s0+$0xC890];
	[tilespmem:s30+$0xCF0] =	vst v60;
	s30 =	smov.u32 s0  }
0xba: {  	v35 =	vld [tilespmem:s30+$0xC8A0]  }
0xbb: {  	v34 =	vld [tilespmem:s30+$0xC8B0]  }
0xbc: {  	v33 =	vld [tilespmem:s30+$0xC8C0]  }
0xbd: {  	v32 =	vld [tilespmem:s30+$0xC8D0]  }
0xbe: {  	v31 =	vld [tilespmem:s30+$0xC8E0]  }
0xbf: {  	v30 =	vld [tilespmem:s30+$0xC8F0]  }
0xc0: {  	v29 =	vld [tilespmem:s30+$0xCC80]  }
0xc1: {  	v28 =	vld [tilespmem:s30+$0xCC90]  }
0xc2: {  	v18 =	vld [tilespmem:s30+$0xCCA0]  }
0xc3: {  	v19 =	vld [tilespmem:s30+$0xCCB0]  }
0xc4: {  	v20 =	vld [tilespmem:s30+$0xCCC0]  }
0xc5: {  	v21 =	vld [tilespmem:s30+$0xCCD0]  }
0xc6: {  	v23 =	vld [tilespmem:s30+$0xCCE0]  }
0xc7: {  	v22 =	vld [tilespmem:s30+$0xCCF0]  }
0xc8: {  	v0 =	vld [tilespmem:s30+$0xC080]  }
0xc9: {  	v61 =	vld [tilespmem:s30+$0xC090]  }
0xca: {  	v62 =	vld [tilespmem:s30+$0xC0A0]  }
0xcb: {  	v63 =	vld [tilespmem:s30+$0xC0B0]  }
0xcc: {  	v10 =	vld [tilespmem:s30+$0xC0C0]  }
0xcd: {  	v9 =	vld [tilespmem:s30+$0xC0D0]  }
0xce: {  	v8 =	vld [tilespmem:s30+$0xC0E0]  }
0xcf: {  	v27 =	vld [tilespmem:s30+$0xC0F0]  }
0xd0: {  	v7 =	vld [tilespmem:s30+$0xC480]  }
0xd1: {  	v26 =	vld [tilespmem:s30+$0xC490]  }
0xd2: {  	v6 =	vld [tilespmem:s30+$0xC4A0]  }
0xd3: {  	v5 =	vld [tilespmem:s30+$0xC4B0]  }
0xd4: {  	v1 =	vld [tilespmem:s30+$0x6090]  }
0xd5: {  	v2 =	vld [tilespmem:s30+$0x60A0]  }
0xd6: {  	v47 =	vld [tilespmem:s30+$0x60B0]  }
0xd7: {  	v48 =	vld [tilespmem:s30+$0x60C0]  }
0xd8: {  	v49 =	vld [tilespmem:s30+$0x60D0]  }
0xd9: {  	v50 =	vld [tilespmem:s30+$0x60E0]  }
0xda: {  	v51 =	vld [tilespmem:s30+$0x60F0]  }
0xdb: {  	v52 =	vld [tilespmem:s30+$0x6480]  }
0xdc: {  	v53 =	vld [tilespmem:s30+$0x6490]  }
0xdd: {  	v54 =	vld [tilespmem:s30+$0x64A0]  }
0xde: {  	v55 =	vld [tilespmem:s30+$0x64B0]  }
0xdf: {  	v56 =	vld [tilespmem:s30+$0x64C0]  }
0xe0: {  	v57 =	vld [tilespmem:s30+$0x64D0]  }
0xe1: {  	v58 =	vld [tilespmem:s30+$0x64E0]  }
0xe2: {  	v59 =	vld [tilespmem:s30+$0x64F0]  }
0xe3: {  	v60 =	vld [tilespmem:s30+$0x6880]  }
0xe4: {  	v46 =	vld [tilespmem:s30+$0x68C0]  }
0xe5: {  	v45 =	vld [tilespmem:s30+$0x68D0]  }
0xe6: {  	v44 =	vld [tilespmem:s30+$0x68E0]  }
0xe7: {  	v43 =	vld [tilespmem:s30+$0x68F0]  }
0xe8: {  	v42 =	vld [tilespmem:s30+$0x6C80]  }
0xe9: {  	v17 =	vld [tilespmem:s30+$0x6C90]  }
0xea: {  	v16 =	vld [tilespmem:s30+$0x6CA0]  }
0xeb: {  	v15 =	vld [tilespmem:s30+$0x6CB0]  }
0xec: {  	v14 =	vld [tilespmem:s30+$0x6CC0]  }
0xed: {  	v13 =	vld [tilespmem:s30+$0x6CD0]  }
0xee: {  	v12 =	vld [tilespmem:s30+$0x6CE0]  }
0xef: {  	v11 =	vld [tilespmem:s30+$0x6CF0]  }
0xf0: {  	v3 =	vld [tilespmem:s30+$0x80]  }
0xf1: {  	v24 =	vld [tilespmem:s30+$0x90]  }
0xf2: {  	v4 =	vld [tilespmem:s30+$0xA0]  }
0xf3: {  	[tilespmem:$0x1FF50] =	vst v0;
	v0 =	vld [tilespmem:s30+$0x6080]  }
0xf4: {  	v25 =	vld [tilespmem:s30+$0xB0]  }
0xf5: {  	[tilespmem:$0x1FF60] =	vst v61;
	v61 =	vld [tilespmem:s30+$0x6890]  }
0xf6: {  	[tilespmem:$0x1FF70] =	vst v62;
	v62 =	vld [tilespmem:s30+$0x68A0]  }
0xf7: {  	[tilespmem:$0x1FF80] =	vst v63;
	v63 =	vld [tilespmem:s30+$0x68B0]  }
0xf8: {  	vm1 =	vgt.s32 v0, $0x0;
	v0 =	vld [tilespmem:s30+$0xC0]  }
0xf9: {  	v3 =	vsel vm1, v37, v3;
	vm1 =	vgt.s32 v1, $0x0;
	v37 =	vld [tilespmem:s30+$0xD0]  }
0xfa: {  	[tilespmem:s30+$0x80] =	vst v3;
	v3 =	vsel vm1, v38, v24;
	v38 =	vld [tilespmem:s30+$0xE0]  }
0xfb: {  	vm1 =	vgt.s32 v2, $0x0;
	v24 =	vld [tilespmem:s30+$0x480]  }
0xfc: {  	[tilespmem:s30+$0x90] =	vst v3;
	v3 =	vsel vm1, v39, v4;
	vm1 =	vgt.s32 v47, $0x0;
	v4 =	vld [tilespmem:s30+$0xF0]  }
0xfd: {  	v47 =	vld [tilespmem:s30+$0x4F0];
	[tilespmem:s30+$0xA0] =	vst v3;
	v3 =	vsel vm1, v40, v25;
	vm1 =	vgt.s32 v48, $0x0  }
0xfe: {  	[tilespmem:s30+$0xB0] =	vst v3;
	v0 =	vsel vm1, v41, v0;
	vm1 =	vgt.s32 v49, $0x0;
	v3 =	vld [tilespmem:s30+$0x490]  }
0xff: {  	v49 =	vsel vm1, v36, v37;
	vm1 =	vgt.s32 v50, $0x0;
	v50 =	vld [tilespmem:s30+$0x4A0]  }
0x100: {  	v37 =	vld [tilespmem:s30+$0x4B0]  }
0x101: {  	[tilespmem:s30+$0xD0] =	vst v49;
	v36 =	vsel vm1, v35, v38;
	vm1 =	vgt.s32 v51, $0x0;
	v49 =	vld [tilespmem:s30+$0x880]  }
0x102: {  	v38 =	vsel vm1, v34, v4;
	vm1 =	vgt.s32 v52, $0x0;
	v4 =	vld [tilespmem:s30+$0x4C0]  }
0x103: {  	[tilespmem:s30+$0xC0] =	vst v0;
	v39 =	vsel vm1, v33, v24;
	vm1 =	vgt.s32 v53, $0x0;
	v24 =	vld [tilespmem:s30+$0x4D0]  }
0x104: {  	[tilespmem:s30+$0xE0] =	vst v36;
	v40 =	vsel vm1, v32, v3;
	vm1 =	vgt.s32 v54, $0x0;
	v3 =	vld [tilespmem:s30+$0x4E0]  }
0x105: {  	[tilespmem:s30+$0xF0] =	vst v38;
	v54 =	vld [tilespmem:s30+$0x8C0];
	v41 =	vsel vm1, v31, v50;
	vm1 =	vgt.s32 v55, $0x0  }
0x106: {  	[tilespmem:s30+$0x480] =	vst v39;
	v48 =	vsel vm1, v30, v37;
	vm1 =	vgt.s32 v56, $0x0;
	v56 =	vld [tilespmem:s30+$0x8D0]  }
0x107: {  	[tilespmem:s30+$0x490] =	vst v40;
	v50 =	vsel vm1, v29, v4;
	vm1 =	vgt.s32 v57, $0x0;
	v4 =	vld [tilespmem:s30+$0x890]  }
0x108: {  	[tilespmem:s30+$0x4A0] =	vst v41;
	v51 =	vsel vm1, v28, v24;
	vm1 =	vgt.s32 v58, $0x0;
	v24 =	vld [tilespmem:s30+$0x8A0]  }
0x109: {  	[tilespmem:s30+$0x4B0] =	vst v48;
	v52 =	vsel vm1, v18, v3;
	v3 =	vld [tilespmem:s30+$0x8B0]  }
0x10a: {  	[tilespmem:s30+$0x4C0] =	vst v50;
	vm1 =	vgt.s32 v59, $0x0;
	v18 =	vld [tilespmem:s30+$0x8F0]  }
0x10b: {  	[tilespmem:s30+$0x4D0] =	vst v51;
	v53 =	vsel vm1, v19, v47;
	vm1 =	vgt.s32 v60, $0x0;
	v60 =	vld [tilespmem:$0x1FF50]  }
0x10c: {  	[tilespmem:s30+$0x4E0] =	vst v52;
	v55 =	vsel vm1, v20, v49;
	vm1 =	vgt.s32 v61, $0x0;
	v61 =	vld [tilespmem:$0x1FF60]  }
0x10d: {  	[tilespmem:s30+$0x4F0] =	vst v53;
	v57 =	vsel vm1, v21, v4;
	v4 =	vld [tilespmem:s30+$0x8E0]  }
0x10e: {  	[tilespmem:s30+$0x880] =	vst v55;
	vm1 =	vgt.s32 v62, $0x0;
	v62 =	vld [tilespmem:$0x1FF70]  }
0x10f: {  	p0 =	sne.s32 s31, $0x5E00;
	[tilespmem:s30+$0x890] =	vst v57;
	v58 =	vsel vm1, v23, v24;
	vm1 =	vgt.s32 v63, $0x0;
	v63 =	vld [tilespmem:$0x1FF80]  }
.Ltmp0:
0x110: {  	v19 =	vld [tilespmem:s30+$0xCB0];
	[tilespmem:s30+$0x8A0] =	vst v58;
	v59 =	vsel vm1, v22, v3;
	vm1 =	vgt.s32 v46, $0x0;
	(pc) =	sbr.rel @p0 .LBB2_2-.Ltmp0, $4  }
0x111: {  	v20 =	vld [tilespmem:s30+$0xCA0];
	[tilespmem:s30+$0x8B0] =	vst v59;
	v0 =	vsel vm1, v60, v54;
	vm1 =	vgt.s32 v45, $0x0  }
0x112: {  	v21 =	vld [tilespmem:s30+$0xC90];
	[tilespmem:s30+$0x8C0] =	vst v0;
	v0 =	vsel vm1, v61, v56;
	vm1 =	vgt.s32 v44, $0x0  }
0x113: {  	v25 =	vmov v26;
	v22 =	vld [tilespmem:s30+$0xC80];
	[tilespmem:s30+$0x8D0] =	vst v0;
	v0 =	vsel vm1, v62, v4;
	vm1 =	vgt.s32 v43, $0x0  }
0x114: {  	s31 =	sadd.s32 $0x200, s31;
	v26 =	vmovc v7;
	v24 =	vmovc v5;
	v5 =	vmov v6;
	[tilespmem:s30+$0x8E0] =	vst v0;
	v23 =	vsel vm1, v63, v18;
	vm1 =	vgt.s32 v42, $0x0;
	v18 =	vld [tilespmem:s30+$0xCC0]  }
0x115: {  	_ =	sdelay $0x2  }
0x116: {  	[tilespmem:s30+$0x8F0] =	vst v23;
	v1 =	vld [tilespmem:s30+$0xCD0];
	v0 =	vsel vm1, v10, v22;
	vm1 =	vgt.s32 v17, $0x0  }
0x117: {  	v2 =	vld [tilespmem:s30+$0xCE0];
	[tilespmem:s30+$0xC80] =	vst v0;
	v57 =	vsel vm1, v9, v21;
	vm1 =	vgt.s32 v16, $0x0  }
0x118: {  	v3 =	vld [tilespmem:s30+$0xCF0];
	[tilespmem:s30+$0xC90] =	vst v57;
	v58 =	vsel vm1, v8, v20;
	vm1 =	vgt.s32 v15, $0x0  }
0x119: {  	[tilespmem:s30+$0xCA0] =	vst v58;
	v59 =	vsel vm1, v27, v19;
	vm1 =	vgt.s32 v14, $0x0  }
0x11a: {  	[tilespmem:s30+$0xCB0] =	vst v59;
	v60 =	vsel vm1, v26, v18;
	vm1 =	vgt.s32 v13, $0x0  }
0x11b: {  	[tilespmem:s30+$0xCC0] =	vst v60;
	v61 =	vsel vm1, v25, v1;
	vm1 =	vgt.s32 v12, $0x0  }
0x11c: {  	s29 =	sadd.s32 $0x1, s29;
	[tilespmem:s30+$0xCD0] =	vst v61;
	v62 =	vsel vm1, v5, v2;
	vm1 =	vgt.s32 v11, $0x0  }
0x11d: {  	p0 =	sne.s32 s29, s9;
	[tilespmem:s30+$0xCE0] =	vst v62;
	v63 =	vsel vm1, v24, v3  }
.Ltmp1:
0x11e: {  	[tilespmem:s30+$0xCF0] =	vst v63;
	(pc) =	sbr.rel @p0 .LBB2_1-.Ltmp1, $4  }
0x11f: {  	[hbm4b:s8+s3] =	stream.linear.scatter [tilespmem:s11], [sflag:$0x4], $0x6000, $0x38;
	[tilespmem:$0x12080] =	vst v63  }
0x120: {  	_ =	swait.ge [sflag:s10], $0x6000  }
0x121: {  	[sflag:s10] =	ssyncset.done $0x0  }
0x122: {  	[sflag:s10] =	ssyncadd.s32 $0xFFFFA000  }
0x123: {  	_ =	sfence.sel $0x180000  }
0x124: {  	[bflag:$0x0] =	sbarrier.arrive $0xFFFF  }
0x125: {  	_ =	strace $0x90000047  }
0x126: {  	s0 =	stileid.u32;
	[bflag:$0x2] =	sbarrier.arrive $0xFFFF  }
0x127: {  	p0 =	sne.s32 s0, $0x0;
	s0 =	rddreg [dreg:$0x4]  }
0x128: {  	s0 =	sadd.s32 @!p0 $0x100000, s0  }
0x129: {  	[sflag:s0] =	ssyncadd.tile.s32 @!p0 $0x1;
	_ =	shalt  }
.Lfunc_end2:
_tile_overlayer_lowered:
.L_overlay_start_2:
0x12a: {  	(tag) =	ssettag $0x2  }
0x12b: {  	s0 =	rddreg [dreg:$0x0];
	s2 =	stileid.u32  }
0x12c: {  	s1 =	rddreg [dreg:$0x1];
	p0 =	sne.s32 s2, $0x0  }
0x12d: {  	s3 =	rddreg [dreg:$0x2];
	[bflag:$0x3] =	sbarrier.arrive $0xFFFF;
	s2 =	simm.s32 @!p0 $0x1C04  }
0x12e: {  	[timem:s3], [sflag:s2] =	dma.local @!p0 [hbm:s0], s1  }
0x12f: {  	s0 =	simm.s32 @!p0 $0x4  }
0x130: {  	_ =	swait.ge @!p0 [sflag:s0], s1  }
0x131: {  	s1 =	ssub.s32 @!p0 $0x0, s1;
	[sflag:s0] =	ssyncset.done @!p0 $0x0  }
0x132: {  	[sflag:s0] =	ssyncadd.s32 @!p0 s1  }
0x133: {  	[bflag:$0x3] =	sbarrier.arrive $0xFFFF  }
0x134: {  	_ =	shalt  }

</sc_bundles>
